<compile_context>
chip_gen: v7x
topology: tpu7x:2x2x1
jax: 0.10.2.dev20260603
libtpu: 0.0.44.dev20260713+nightly
codegen_flags: <defaults>
</compile_context>

<pallas_src>
import functools

import jax
import jax.numpy as jnp
import numpy as np
from jax import lax
from jax.experimental import pallas as pl
from jax.experimental.pallas import tpu as pltpu
from jax.experimental.pallas import tpu_sc as plsc

BATCH = 16384
DIM = 64
VOCAB = 100000
NOISE_VOCAB = 64
NUM_NEG = 5

NUM_CORES = 2
NUM_SUBCORES = 16
NUM_WORKERS = NUM_CORES * NUM_SUBCORES
D_PER_W = DIM // NUM_WORKERS
E_CHUNK = 4096
N_ECHUNK = BATCH // E_CHUNK
LANES = 16
UNROLL = 16

TC_BLOCK = 2048
TC_GRID = BATCH // TC_BLOCK
POS_BLOCK = 8192
POS_GRID = BATCH // POS_BLOCK


def _threefry2x32(k1, k2, x0, x1):
    k1 = np.uint32(k1)
    k2 = np.uint32(k2)
    ks = (k1, k2, k1 ^ k2 ^ np.uint32(0x1BD11BDA))
    x0 = (x0 + ks[0]).astype(np.uint32)
    x1 = (x1 + ks[1]).astype(np.uint32)

    def rounds(x0, x1, rots):
        for r in rots:
            x0 = (x0 + x1).astype(np.uint32)
            x1 = (x1 << np.uint32(r)) | (x1 >> np.uint32(32 - r))
            x1 = x0 ^ x1
        return x0, x1

    rot_a, rot_b = (13, 15, 26, 6), (17, 29, 16, 24)
    inject = ((ks[1], ks[2], 1), (ks[2], ks[0], 2), (ks[0], ks[1], 3),
              (ks[1], ks[2], 4), (ks[2], ks[0], 5))
    for (a, b, c), rt in zip(inject, (rot_a, rot_b, rot_a, rot_b, rot_a)):
        x0, x1 = rounds(x0, x1, rt)
        x0 = (x0 + a).astype(np.uint32)
        x1 = (x1 + b + np.uint32(c)).astype(np.uint32)
    return x0, x1


def _iota_pair(size):
    n = np.arange(size, dtype=np.uint64)
    return ((n >> np.uint64(32)).astype(np.uint32),
            (n & np.uint64(0xFFFFFFFF)).astype(np.uint32))


def _categorical_uniform(k1, k2):
    hi, lo = _iota_pair(BATCH * NUM_NEG * NOISE_VOCAB)
    b1, b2 = _threefry2x32(k1, k2, hi, lo)
    bits = b1 ^ b2
    fb = (bits >> np.uint32(9)) | np.uint32(0x3F800000)
    floats = fb.view(np.float32) - np.float32(1.0)
    tiny = np.float32(np.finfo(np.float32).tiny)
    u = np.maximum(tiny, floats * np.float32(np.float32(1.0) - tiny) + tiny)
    g = -np.log(-np.log(u))
    return np.argmax(g.reshape(BATCH, NUM_NEG, NOISE_VOCAB), axis=-1).astype(np.int32)


def _noise_constants():
    hi, lo = _iota_pair(2)
    b1, b2 = _threefry2x32(0, 42, hi, lo)
    neg = _categorical_uniform(b1[0], b2[0])
    repl = _categorical_uniform(b1[1], b2[1])

    def pack(a):
        p = np.zeros((BATCH,), dtype=np.int64)
        for k in range(NUM_NEG):
            p |= a[:, k].astype(np.int64) << (6 * k)
        return p.astype(np.int32).reshape(TC_GRID, 1, TC_BLOCK)

    return pack(neg), pack(repl)


_NEG_PACKED, _REPL_PACKED = _noise_constants()


def _sc_gather_body(wt_hbm, tgt_hbm, out_hbm, tgt_v, row_v, g_v0, g_v1, sem_out):
    wid = lax.axis_index("s") * NUM_CORES + lax.axis_index("c")
    pltpu.sync_copy(tgt_hbm, tgt_v)
    pending = {}
    for rep in range(D_PER_W):
        d = wid * D_PER_W + rep
        pltpu.sync_copy(wt_hbm.at[d], row_v)

        for c in range(N_ECHUNK):
            slot = c % 2
            if slot in pending:
                pending.pop(slot).wait()
            g_slot = (g_v0, g_v1)[slot]

            @plsc.parallel_loop(c * E_CHUNK, (c + 1) * E_CHUNK,
                                step=LANES, unroll=UNROLL)
            def body(i, c=c, g_slot=g_slot):
                idx16 = tgt_v[pl.ds(i, LANES)]
                g_slot[pl.ds(i - c * E_CHUNK, LANES)] = (
                    plsc.load_gather(row_v, [idx16]))
            pending[slot] = pltpu.async_copy(
                g_slot, out_hbm.at[d, pl.ds(c * E_CHUNK, E_CHUNK)],
                sem_out.at[slot])
    for cp in pending.values():
        cp.wait()


@functools.lru_cache(maxsize=None)
def _build_sc_gather():
    return functools.partial(
        pl.kernel,
        mesh=plsc.VectorSubcoreMesh(
            core_axis_name="c", subcore_axis_name="s",
            num_cores=NUM_CORES, num_subcores=NUM_SUBCORES,
        ),
        out_type=jax.ShapeDtypeStruct((DIM, BATCH), jnp.float32),
        compiler_params=pltpu.CompilerParams(
            use_tc_tiling_on_sc=True, needs_layout_passes=False),
        scratch_types=[
            pltpu.VMEM((BATCH,), jnp.int32),
            pltpu.VMEM((VOCAB,), jnp.float32),
            pltpu.VMEM((E_CHUNK,), jnp.float32),
            pltpu.VMEM((E_CHUNK,), jnp.float32),
            pltpu.SemaphoreType.DMA((2,)),
        ],
    )(_sc_gather_body)


def _log_sigmoid(z):
    return jnp.minimum(z, 0.0) - jnp.log1p(jnp.exp(-jnp.abs(z)))


def _tc_neg_body(x_ref, w_ref, tgt_ref, negp_ref, replp_ref, out_ref):
    i = pl.program_id(0)

    x = x_ref[...]
    w = w_ref[...]
    tgt = tgt_ref[0]
    negp = negp_ref[0]
    replp = replp_ref[0]

    s_t = lax.dot_general(
        w, x, dimension_numbers=(((0,), (0,)), ((), ())),
        preferred_element_type=jnp.float32,
    )

    iota_v = lax.broadcasted_iota(jnp.int32, (NOISE_VOCAB, TC_BLOCK), 0)
    total = jnp.float32(0.0)
    for k in range(NUM_NEG):
        nk = (negp >> (6 * k)) & 63
        rk = (replp >> (6 * k)) & 63
        nwk = jnp.where(nk == tgt, rk, nk)
        sel = jnp.where(iota_v == nwk, s_t, 0.0)
        sk = jnp.sum(sel, axis=0, keepdims=True)
        total += jnp.sum(_log_sigmoid(-sk))

    @pl.when(i == 0)
    def _init():
        out_ref[...] = jnp.zeros((1, 1), jnp.float32)

    out_ref[...] += jnp.full((1, 1), total, jnp.float32)


_tc_neg = pl.pallas_call(
    _tc_neg_body,
    grid=(TC_GRID,),
    in_specs=[
        pl.BlockSpec((DIM, TC_BLOCK), lambda i: (0, i)),
        pl.BlockSpec((DIM, NOISE_VOCAB), lambda i: (0, 0)),
        pl.BlockSpec((1, 1, TC_BLOCK), lambda i: (i, 0, 0)),
        pl.BlockSpec((1, 1, TC_BLOCK), lambda i: (i, 0, 0)),
        pl.BlockSpec((1, 1, TC_BLOCK), lambda i: (i, 0, 0)),
    ],
    out_specs=pl.BlockSpec((1, 1), lambda i: (0, 0)),
    out_shape=jax.ShapeDtypeStruct((1, 1), jnp.float32),
)


def _tc_pos_body(x_ref, g_ref, negtot_ref, out_ref):
    i = pl.program_id(0)

    x = x_ref[...]
    g = g_ref[...]
    pos_score = jnp.sum(x * g, axis=0, keepdims=True)
    total = jnp.sum(_log_sigmoid(pos_score))

    @pl.when(i == 0)
    def _init():
        out_ref[...] = jnp.zeros((1, 1), jnp.float32)

    out_ref[...] += jnp.full((1, 1), total, jnp.float32)

    @pl.when(i == POS_GRID - 1)
    def _fin():
        out_ref[...] = (out_ref[...] + negtot_ref[...]) * (-1.0 / BATCH)


_tc_pos = pl.pallas_call(
    _tc_pos_body,
    grid=(POS_GRID,),
    in_specs=[
        pl.BlockSpec((DIM, POS_BLOCK), lambda i: (0, i)),
        pl.BlockSpec((DIM, POS_BLOCK), lambda i: (0, i)),
        pl.BlockSpec((1, 1), lambda i: (0, 0)),
    ],
    out_specs=pl.BlockSpec((1, 1), lambda i: (0, 0)),
    out_shape=jax.ShapeDtypeStruct((1, 1), jnp.float32),
)


def kernel(input_embeddings, target_words, out_emb_weight):
    w_t = out_emb_weight.T
    x_t = input_embeddings.T
    g = _build_sc_gather()(w_t, target_words)
    w64_t = lax.slice(w_t, (0, 0), (DIM, NOISE_VOCAB))
    tgt3 = target_words.reshape(TC_GRID, 1, TC_BLOCK)
    negtot = _tc_neg(
        x_t, w64_t, tgt3,
        jnp.asarray(_NEG_PACKED), jnp.asarray(_REPL_PACKED),
    )
    res = _tc_pos(x_t, g, negtot)
    return res.reshape(())

# --- scband reference (transcript-rebuilt; emitter-appended) ---
"""Pipeline reference for scband-negative-sampling-17609365913718 (READ-ONLY COPY).

The authoritative reference and input builder live on the scoring server;
editing this copy changes nothing except your own understanding.
"""

import jax, jax.numpy as jnp
import numpy as np

BATCH = 16384
DIM = 64
VOCAB = 100000
NOISE_VOCAB = 64
NUM_NEG = 5


def setup_inputs(seed: int = 0) -> dict:
    key = jax.random.key(seed)
    k1, k2, k3 = jax.random.split(key, 3)
    input_embeddings = jax.random.normal(k1, (BATCH, DIM), dtype=jnp.float32)
    target_words = jax.random.randint(k2, (BATCH,), 0, VOCAB, dtype=jnp.int32)
    # Learned parameter: out_embeddings.weight. Torch init is zeros (degenerate);
    # use small random values so the reference computation is non-trivial.
    out_emb_weight = jax.random.normal(k3, (VOCAB, DIM), dtype=jnp.float32) * 0.01
    return {
        "input_embeddings": input_embeddings,
        "target_words": target_words,
        "out_emb_weight": out_emb_weight,
    }


def _sample_negatives(target_words, batch):
    # NoiseSampler: word_counts={} -> every count defaults to 1 -> after ^0.75 and
    # normalization the distribution is uniform over the NOISE_VOCAB noise words.
    probs = jnp.full((NOISE_VOCAB,), 1.0 / NOISE_VOCAB, dtype=jnp.float32)
    logits = jnp.log(probs)
    skey = jax.random.key(42)
    s1, s2 = jax.random.split(skey)
    neg = jax.random.categorical(s1, logits, shape=(batch, NUM_NEG))
    # _replace_positive_negatives: resample any negative equal to its row's positive.
    matches = neg == target_words[:, None]
    repl = jax.random.categorical(s2, logits, shape=(batch, NUM_NEG))
    neg = jnp.where(matches, repl, neg)
    return neg


def reference(input_embeddings, target_words, out_emb_weight):
    batch = input_embeddings.shape[0]
    negative_words = _sample_negatives(target_words, batch)
    # positive path: gather + rowwise dot
    pos_emb = jnp.take(out_emb_weight, target_words, axis=0)
    positive_scores = jnp.sum(input_embeddings * pos_emb, axis=1)
    # negative path: gather (B, K, D) then bmm with (B, D, 1)
    neg_emb = jnp.take(out_emb_weight, negative_words, axis=0)
    negative_scores = jnp.einsum('bkd,bd->bk', neg_emb, input_embeddings)
    positive_loss = jax.nn.log_sigmoid(positive_scores)
    negative_loss = jnp.sum(jax.nn.log_sigmoid(-negative_scores), axis=1)
    total_loss = -(positive_loss + negative_loss)
    return jnp.mean(total_loss)

if __name__ == "__main__":
    import jax
    _d = setup_inputs()
    print(jax.jit(kernel)(*tuple(_d.values())))

</pallas_src>

<mosaic_0001>
#map = affine_map<(d0, d1) -> (0, 0)>
#map1 = affine_map<(d0, d1) -> (0)>
module attributes {stable_mosaic.version = 14 : i64} {
  func.func @_sc_gather_body(%arg0: i32, %arg1: i32, %arg2: memref<64x100000xf32, #tpu.memory_space<hbm>>, %arg3: memref<16384xi32, #tpu.memory_space<hbm>>, %arg4: memref<64x16384xf32, #tpu.memory_space<hbm>>, %arg5: memref<16384xi32, #tpu.memory_space<vmem>>, %arg6: memref<100000xf32, #tpu.memory_space<vmem>>, %arg7: memref<4096xf32, #tpu.memory_space<vmem>>, %arg8: memref<4096xf32, #tpu.memory_space<vmem>>, %arg9: memref<2x!tpu.dma_semaphore, #tpu.memory_space<semaphore_mem>>) attributes {dimension_semantics = [#tpu.dimension_semantics<core_parallel>, #tpu.dimension_semantics<subcore_parallel>], iteration_bounds = array<i64: 2, 16>, scalar_prefetch = 0 : i64, scratch_operands = 5 : i64, tpu.core_type = #tpu.core_type<sc_vector_subcore>, window_params = [{transform_indices = #map}, {transform_indices = #map1}, {transform_indices = #map}]} {
    %mul3A = arith.constant 2 : i32
    %mul3A_0 = arith.muli %arg1, %mul3A : i32
    %add3A = arith.addi %mul3A_0, %arg0 : i32
    "tpu.region"() ({
      %run_scoped3A = tpu.sem_alloc : memref<!tpu.dma_semaphore, #tpu.memory_space<semaphore_mem>>
      tpu.enqueue_dma source(%arg3 : memref<16384xi32, #tpu.memory_space<hbm>>) target(%arg5 : memref<16384xi32, #tpu.memory_space<vmem>>) target_semaphore(%run_scoped3A : memref<!tpu.dma_semaphore, #tpu.memory_space<semaphore_mem>>)
      tpu.wait_dma2 semaphore(%run_scoped3A : memref<!tpu.dma_semaphore, #tpu.memory_space<semaphore_mem>>) src(%arg3 : memref<16384xi32, #tpu.memory_space<hbm>>) dst(%arg5 : memref<16384xi32, #tpu.memory_space<vmem>>)
      tpu.yield
    }) : () -> ()
    %mul3A_1 = arith.constant 2 : i32
    %mul3A_2 = arith.muli %add3A, %mul3A_1 : i32
    %add3A_3 = arith.constant 0 : i32
    %add3A_4 = arith.addi %mul3A_2, %add3A_3 : i32
    "tpu.region"() ({
      %run_scoped3A = tpu.sem_alloc : memref<!tpu.dma_semaphore, #tpu.memory_space<semaphore_mem>>
      %dma_start3A_174 = arith.constant 0 : i32
      %dma_start3A_175 = tpu.memref_slice %arg2[%add3A_4, %dma_start3A_174] : memref<64x100000xf32, #tpu.memory_space<hbm>> -> memref<1x100000xf32, #tpu.memory_space<hbm>>
      %dma_start3A_176 = tpu.memref_squeeze %dma_start3A_175 : memref<1x100000xf32, #tpu.memory_space<hbm>> -> memref<100000xf32, #tpu.memory_space<hbm>>
      %dma_start3A_177 = arith.constant 0 : i32
      %dma_start3A_178 = tpu.memref_slice %arg2[%add3A_4, %dma_start3A_177] : memref<64x100000xf32, #tpu.memory_space<hbm>> -> memref<1x100000xf32, #tpu.memory_space<hbm>>
      %dma_start3A_179 = tpu.memref_squeeze %dma_start3A_178 : memref<1x100000xf32, #tpu.memory_space<hbm>> -> memref<100000xf32, #tpu.memory_space<hbm>>
      tpu.enqueue_dma source(%dma_start3A_179 : memref<100000xf32, #tpu.memory_space<hbm>>) target(%arg6 : memref<100000xf32, #tpu.memory_space<vmem>>) target_semaphore(%run_scoped3A : memref<!tpu.dma_semaphore, #tpu.memory_space<semaphore_mem>>)
      %dma_wait3A_180 = arith.constant 0 : i32
      %dma_wait3A_181 = tpu.memref_slice %arg2[%add3A_4, %dma_wait3A_180] : memref<64x100000xf32, #tpu.memory_space<hbm>> -> memref<1x100000xf32, #tpu.memory_space<hbm>>
      %dma_wait3A_182 = tpu.memref_squeeze %dma_wait3A_181 : memref<1x100000xf32, #tpu.memory_space<hbm>> -> memref<100000xf32, #tpu.memory_space<hbm>>
      %dma_wait3A_183 = arith.constant 0 : i32
      %dma_wait3A_184 = tpu.memref_slice %arg2[%add3A_4, %dma_wait3A_183] : memref<64x100000xf32, #tpu.memory_space<hbm>> -> memref<1x100000xf32, #tpu.memory_space<hbm>>
      %dma_wait3A_185 = tpu.memref_squeeze %dma_wait3A_184 : memref<1x100000xf32, #tpu.memory_space<hbm>> -> memref<100000xf32, #tpu.memory_space<hbm>>
      tpu.wait_dma2 semaphore(%run_scoped3A : memref<!tpu.dma_semaphore, #tpu.memory_space<semaphore_mem>>) src(%dma_wait3A_185 : memref<100000xf32, #tpu.memory_space<hbm>>) dst(%arg6 : memref<100000xf32, #tpu.memory_space<vmem>>)
      tpu.yield
    }) : () -> ()
    %parallel_loop3A = arith.constant 0 : i32
    %parallel_loop3A_5 = arith.constant 4096 : i32
    %parallel_loop3A_6 = arith.constant 16 : i32
    scf.for %parallel_loop3A_174 = %parallel_loop3A to %parallel_loop3A_5 step %parallel_loop3A_6  : i32 {
      %parallel_loop3A_175 = arith.index_cast %parallel_loop3A_174 : i32 to index
      %parallel_loop3A_176 = tpu.vector_load %arg5[%parallel_loop3A_175] {strides = array<i32>} : memref<16384xi32, #tpu.memory_space<vmem>>, vector<16xi32>,
      %parallel_loop3A_177 = tpu.vector_load_idx %arg6[%parallel_loop3A_176] : memref<100000xf32, #tpu.memory_space<vmem>>[vector<16xi32>], vector<16xf32>,
      %parallel_loop3A_178 = arith.constant 0 : i32
      %parallel_loop3A_179 = arith.subi %parallel_loop3A_174, %parallel_loop3A_178 : i32
      %parallel_loop3A_180 = arith.index_cast %parallel_loop3A_179 : i32 to index
      %parallel_loop3A_181 = tpu.vector_load %arg7[%parallel_loop3A_180] {strides = array<i32>} : memref<4096xf32, #tpu.memory_space<vmem>>, vector<16xf32>,
      tpu.vector_store %arg7[%parallel_loop3A_180], %parallel_loop3A_177 {strides = array<i32>} : memref<4096xf32, #tpu.memory_space<vmem>>, vector<16xf32>,
    } {sc.loop_unroll_factor = 16 : i64, sc.parallel_access}
    %dma_start3A = arith.constant 0 : i32
    %dma_start3A_7 = arith.constant 0 : i32
    %dma_start3A_8 = tpu.memref_slice %arg4[%add3A_4, %dma_start3A_7] : memref<64x16384xf32, #tpu.memory_space<hbm>> -> memref<1x4096xf32, #tpu.memory_space<hbm>>
    %dma_start3A_9 = tpu.memref_squeeze %dma_start3A_8 : memref<1x4096xf32, #tpu.memory_space<hbm>> -> memref<4096xf32, #tpu.memory_space<hbm>>
    %dma_start3A_10 = tpu.memref_slice %arg9[%dma_start3A] : memref<2x!tpu.dma_semaphore, #tpu.memory_space<semaphore_mem>> -> memref<1x!tpu.dma_semaphore, #tpu.memory_space<semaphore_mem>>
    %dma_start3A_11 = tpu.memref_squeeze %dma_start3A_10 : memref<1x!tpu.dma_semaphore, #tpu.memory_space<semaphore_mem>> -> memref<!tpu.dma_semaphore, #tpu.memory_space<semaphore_mem>>
    %dma_start3A_12 = arith.constant 0 : i32
    %dma_start3A_13 = tpu.memref_slice %arg4[%add3A_4, %dma_start3A_12] : memref<64x16384xf32, #tpu.memory_space<hbm>> -> memref<1x4096xf32, #tpu.memory_space<hbm>>
    %dma_start3A_14 = tpu.memref_squeeze %dma_start3A_13 : memref<1x4096xf32, #tpu.memory_space<hbm>> -> memref<4096xf32, #tpu.memory_space<hbm>>
    tpu.enqueue_dma source(%arg7 : memref<4096xf32, #tpu.memory_space<vmem>>) target(%dma_start3A_14 : memref<4096xf32, #tpu.memory_space<hbm>>) target_semaphore(%dma_start3A_11 : memref<!tpu.dma_semaphore, #tpu.memory_space<semaphore_mem>>)
    %parallel_loop3A_15 = arith.constant 4096 : i32
    %parallel_loop3A_16 = arith.constant 8192 : i32
    %parallel_loop3A_17 = arith.constant 16 : i32
    scf.for %parallel_loop3A_174 = %parallel_loop3A_15 to %parallel_loop3A_16 step %parallel_loop3A_17  : i32 {
      %parallel_loop3A_175 = arith.index_cast %parallel_loop3A_174 : i32 to index
      %parallel_loop3A_176 = tpu.vector_load %arg5[%parallel_loop3A_175] {strides = array<i32>} : memref<16384xi32, #tpu.memory_space<vmem>>, vector<16xi32>,
      %parallel_loop3A_177 = tpu.vector_load_idx %arg6[%parallel_loop3A_176] : memref<100000xf32, #tpu.memory_space<vmem>>[vector<16xi32>], vector<16xf32>,
      %parallel_loop3A_178 = arith.constant 4096 : i32
      %parallel_loop3A_179 = arith.subi %parallel_loop3A_174, %parallel_loop3A_178 : i32
      %parallel_loop3A_180 = arith.index_cast %parallel_loop3A_179 : i32 to index
      %parallel_loop3A_181 = tpu.vector_load %arg8[%parallel_loop3A_180] {strides = array<i32>} : memref<4096xf32, #tpu.memory_space<vmem>>, vector<16xf32>,
      tpu.vector_store %arg8[%parallel_loop3A_180], %parallel_loop3A_177 {strides = array<i32>} : memref<4096xf32, #tpu.memory_space<vmem>>, vector<16xf32>,
    } {sc.loop_unroll_factor = 16 : i64, sc.parallel_access}
    %dma_start3A_18 = arith.constant 1 : i32
    %dma_start3A_19 = arith.constant 4096 : i32
    %dma_start3A_20 = tpu.memref_slice %arg4[%add3A_4, %dma_start3A_19] : memref<64x16384xf32, #tpu.memory_space<hbm>> -> memref<1x4096xf32, #tpu.memory_space<hbm>>
    %dma_start3A_21 = tpu.memref_squeeze %dma_start3A_20 : memref<1x4096xf32, #tpu.memory_space<hbm>> -> memref<4096xf32, #tpu.memory_space<hbm>>
    %dma_start3A_22 = tpu.memref_slice %arg9[%dma_start3A_18] : memref<2x!tpu.dma_semaphore, #tpu.memory_space<semaphore_mem>> -> memref<1x!tpu.dma_semaphore, #tpu.memory_space<semaphore_mem>>
    %dma_start3A_23 = tpu.memref_squeeze %dma_start3A_22 : memref<1x!tpu.dma_semaphore, #tpu.memory_space<semaphore_mem>> -> memref<!tpu.dma_semaphore, #tpu.memory_space<semaphore_mem>>
    %dma_start3A_24 = arith.constant 4096 : i32
    %dma_start3A_25 = tpu.memref_slice %arg4[%add3A_4, %dma_start3A_24] : memref<64x16384xf32, #tpu.memory_space<hbm>> -> memref<1x4096xf32, #tpu.memory_space<hbm>>
    %dma_start3A_26 = tpu.memref_squeeze %dma_start3A_25 : memref<1x4096xf32, #tpu.memory_space<hbm>> -> memref<4096xf32, #tpu.memory_space<hbm>>
    tpu.enqueue_dma source(%arg8 : memref<4096xf32, #tpu.memory_space<vmem>>) target(%dma_start3A_26 : memref<4096xf32, #tpu.memory_space<hbm>>) target_semaphore(%dma_start3A_23 : memref<!tpu.dma_semaphore, #tpu.memory_space<semaphore_mem>>)
    %dma_wait3A = arith.constant 0 : i32
    %dma_wait3A_27 = arith.constant 0 : i32
    %dma_wait3A_28 = tpu.memref_slice %arg4[%add3A_4, %dma_wait3A_27] : memref<64x16384xf32, #tpu.memory_space<hbm>> -> memref<1x4096xf32, #tpu.memory_space<hbm>>
    %dma_wait3A_29 = tpu.memref_squeeze %dma_wait3A_28 : memref<1x4096xf32, #tpu.memory_space<hbm>> -> memref<4096xf32, #tpu.memory_space<hbm>>
    %dma_wait3A_30 = tpu.memref_slice %arg9[%dma_wait3A] : memref<2x!tpu.dma_semaphore, #tpu.memory_space<semaphore_mem>> -> memref<1x!tpu.dma_semaphore, #tpu.memory_space<semaphore_mem>>
    %dma_wait3A_31 = tpu.memref_squeeze %dma_wait3A_30 : memref<1x!tpu.dma_semaphore, #tpu.memory_space<semaphore_mem>> -> memref<!tpu.dma_semaphore, #tpu.memory_space<semaphore_mem>>
    %dma_wait3A_32 = arith.constant 0 : i32
    %dma_wait3A_33 = tpu.memref_slice %arg4[%add3A_4, %dma_wait3A_32] : memref<64x16384xf32, #tpu.memory_space<hbm>> -> memref<1x4096xf32, #tpu.memory_space<hbm>>
    %dma_wait3A_34 = tpu.memref_squeeze %dma_wait3A_33 : memref<1x4096xf32, #tpu.memory_space<hbm>> -> memref<4096xf32, #tpu.memory_space<hbm>>
    tpu.wait_dma2 semaphore(%dma_wait3A_31 : memref<!tpu.dma_semaphore, #tpu.memory_space<semaphore_mem>>) src(%arg7 : memref<4096xf32, #tpu.memory_space<vmem>>) dst(%dma_wait3A_34 : memref<4096xf32, #tpu.memory_space<hbm>>)
    %parallel_loop3A_35 = arith.constant 8192 : i32
    %parallel_loop3A_36 = arith.constant 12288 : i32
    %parallel_loop3A_37 = arith.constant 16 : i32
    scf.for %parallel_loop3A_174 = %parallel_loop3A_35 to %parallel_loop3A_36 step %parallel_loop3A_37  : i32 {
      %parallel_loop3A_175 = arith.index_cast %parallel_loop3A_174 : i32 to index
      %parallel_loop3A_176 = tpu.vector_load %arg5[%parallel_loop3A_175] {strides = array<i32>} : memref<16384xi32, #tpu.memory_space<vmem>>, vector<16xi32>,
      %parallel_loop3A_177 = tpu.vector_load_idx %arg6[%parallel_loop3A_176] : memref<100000xf32, #tpu.memory_space<vmem>>[vector<16xi32>], vector<16xf32>,
      %parallel_loop3A_178 = arith.constant 8192 : i32
      %parallel_loop3A_179 = arith.subi %parallel_loop3A_174, %parallel_loop3A_178 : i32
      %parallel_loop3A_180 = arith.index_cast %parallel_loop3A_179 : i32 to index
      %parallel_loop3A_181 = tpu.vector_load %arg7[%parallel_loop3A_180] {strides = array<i32>} : memref<4096xf32, #tpu.memory_space<vmem>>, vector<16xf32>,
      tpu.vector_store %arg7[%parallel_loop3A_180], %parallel_loop3A_177 {strides = array<i32>} : memref<4096xf32, #tpu.memory_space<vmem>>, vector<16xf32>,
    } {sc.loop_unroll_factor = 16 : i64, sc.parallel_access}
    %dma_start3A_38 = arith.constant 0 : i32
    %dma_start3A_39 = arith.constant 8192 : i32
    %dma_start3A_40 = tpu.memref_slice %arg4[%add3A_4, %dma_start3A_39] : memref<64x16384xf32, #tpu.memory_space<hbm>> -> memref<1x4096xf32, #tpu.memory_space<hbm>>
    %dma_start3A_41 = tpu.memref_squeeze %dma_start3A_40 : memref<1x4096xf32, #tpu.memory_space<hbm>> -> memref<4096xf32, #tpu.memory_space<hbm>>
    %dma_start3A_42 = tpu.memref_slice %arg9[%dma_start3A_38] : memref<2x!tpu.dma_semaphore, #tpu.memory_space<semaphore_mem>> -> memref<1x!tpu.dma_semaphore, #tpu.memory_space<semaphore_mem>>
    %dma_start3A_43 = tpu.memref_squeeze %dma_start3A_42 : memref<1x!tpu.dma_semaphore, #tpu.memory_space<semaphore_mem>> -> memref<!tpu.dma_semaphore, #tpu.memory_space<semaphore_mem>>
    %dma_start3A_44 = arith.constant 8192 : i32
    %dma_start3A_45 = tpu.memref_slice %arg4[%add3A_4, %dma_start3A_44] : memref<64x16384xf32, #tpu.memory_space<hbm>> -> memref<1x4096xf32, #tpu.memory_space<hbm>>
    %dma_start3A_46 = tpu.memref_squeeze %dma_start3A_45 : memref<1x4096xf32, #tpu.memory_space<hbm>> -> memref<4096xf32, #tpu.memory_space<hbm>>
    tpu.enqueue_dma source(%arg7 : memref<4096xf32, #tpu.memory_space<vmem>>) target(%dma_start3A_46 : memref<4096xf32, #tpu.memory_space<hbm>>) target_semaphore(%dma_start3A_43 : memref<!tpu.dma_semaphore, #tpu.memory_space<semaphore_mem>>)
    %dma_wait3A_47 = arith.constant 1 : i32
    %dma_wait3A_48 = arith.constant 4096 : i32
    %dma_wait3A_49 = tpu.memref_slice %arg4[%add3A_4, %dma_wait3A_48] : memref<64x16384xf32, #tpu.memory_space<hbm>> -> memref<1x4096xf32, #tpu.memory_space<hbm>>
    %dma_wait3A_50 = tpu.memref_squeeze %dma_wait3A_49 : memref<1x4096xf32, #tpu.memory_space<hbm>> -> memref<4096xf32, #tpu.memory_space<hbm>>
    %dma_wait3A_51 = tpu.memref_slice %arg9[%dma_wait3A_47] : memref<2x!tpu.dma_semaphore, #tpu.memory_space<semaphore_mem>> -> memref<1x!tpu.dma_semaphore, #tpu.memory_space<semaphore_mem>>
    %dma_wait3A_52 = tpu.memref_squeeze %dma_wait3A_51 : memref<1x!tpu.dma_semaphore, #tpu.memory_space<semaphore_mem>> -> memref<!tpu.dma_semaphore, #tpu.memory_space<semaphore_mem>>
    %dma_wait3A_53 = arith.constant 4096 : i32
    %dma_wait3A_54 = tpu.memref_slice %arg4[%add3A_4, %dma_wait3A_53] : memref<64x16384xf32, #tpu.memory_space<hbm>> -> memref<1x4096xf32, #tpu.memory_space<hbm>>
    %dma_wait3A_55 = tpu.memref_squeeze %dma_wait3A_54 : memref<1x4096xf32, #tpu.memory_space<hbm>> -> memref<4096xf32, #tpu.memory_space<hbm>>
    tpu.wait_dma2 semaphore(%dma_wait3A_52 : memref<!tpu.dma_semaphore, #tpu.memory_space<semaphore_mem>>) src(%arg8 : memref<4096xf32, #tpu.memory_space<vmem>>) dst(%dma_wait3A_55 : memref<4096xf32, #tpu.memory_space<hbm>>)
    %parallel_loop3A_56 = arith.constant 12288 : i32
    %parallel_loop3A_57 = arith.constant 16384 : i32
    %parallel_loop3A_58 = arith.constant 16 : i32
    scf.for %parallel_loop3A_174 = %parallel_loop3A_56 to %parallel_loop3A_57 step %parallel_loop3A_58  : i32 {
      %parallel_loop3A_175 = arith.index_cast %parallel_loop3A_174 : i32 to index
      %parallel_loop3A_176 = tpu.vector_load %arg5[%parallel_loop3A_175] {strides = array<i32>} : memref<16384xi32, #tpu.memory_space<vmem>>, vector<16xi32>,
      %parallel_loop3A_177 = tpu.vector_load_idx %arg6[%parallel_loop3A_176] : memref<100000xf32, #tpu.memory_space<vmem>>[vector<16xi32>], vector<16xf32>,
      %parallel_loop3A_178 = arith.constant 12288 : i32
      %parallel_loop3A_179 = arith.subi %parallel_loop3A_174, %parallel_loop3A_178 : i32
      %parallel_loop3A_180 = arith.index_cast %parallel_loop3A_179 : i32 to index
      %parallel_loop3A_181 = tpu.vector_load %arg8[%parallel_loop3A_180] {strides = array<i32>} : memref<4096xf32, #tpu.memory_space<vmem>>, vector<16xf32>,
      tpu.vector_store %arg8[%parallel_loop3A_180], %parallel_loop3A_177 {strides = array<i32>} : memref<4096xf32, #tpu.memory_space<vmem>>, vector<16xf32>,
    } {sc.loop_unroll_factor = 16 : i64, sc.parallel_access}
    %dma_start3A_59 = arith.constant 1 : i32
    %dma_start3A_60 = arith.constant 12288 : i32
    %dma_start3A_61 = tpu.memref_slice %arg4[%add3A_4, %dma_start3A_60] : memref<64x16384xf32, #tpu.memory_space<hbm>> -> memref<1x4096xf32, #tpu.memory_space<hbm>>
    %dma_start3A_62 = tpu.memref_squeeze %dma_start3A_61 : memref<1x4096xf32, #tpu.memory_space<hbm>> -> memref<4096xf32, #tpu.memory_space<hbm>>
    %dma_start3A_63 = tpu.memref_slice %arg9[%dma_start3A_59] : memref<2x!tpu.dma_semaphore, #tpu.memory_space<semaphore_mem>> -> memref<1x!tpu.dma_semaphore, #tpu.memory_space<semaphore_mem>>
    %dma_start3A_64 = tpu.memref_squeeze %dma_start3A_63 : memref<1x!tpu.dma_semaphore, #tpu.memory_space<semaphore_mem>> -> memref<!tpu.dma_semaphore, #tpu.memory_space<semaphore_mem>>
    %dma_start3A_65 = arith.constant 12288 : i32
    %dma_start3A_66 = tpu.memref_slice %arg4[%add3A_4, %dma_start3A_65] : memref<64x16384xf32, #tpu.memory_space<hbm>> -> memref<1x4096xf32, #tpu.memory_space<hbm>>
    %dma_start3A_67 = tpu.memref_squeeze %dma_start3A_66 : memref<1x4096xf32, #tpu.memory_space<hbm>> -> memref<4096xf32, #tpu.memory_space<hbm>>
    tpu.enqueue_dma source(%arg8 : memref<4096xf32, #tpu.memory_space<vmem>>) target(%dma_start3A_67 : memref<4096xf32, #tpu.memory_space<hbm>>) target_semaphore(%dma_start3A_64 : memref<!tpu.dma_semaphore, #tpu.memory_space<semaphore_mem>>)
    %mul3A_68 = arith.constant 2 : i32
    %mul3A_69 = arith.muli %add3A, %mul3A_68 : i32
    %add3A_70 = arith.constant 1 : i32
    %add3A_71 = arith.addi %mul3A_69, %add3A_70 : i32
    "tpu.region"() ({
      %run_scoped3A = tpu.sem_alloc : memref<!tpu.dma_semaphore, #tpu.memory_space<semaphore_mem>>
      %dma_start3A_174 = arith.constant 0 : i32
      %dma_start3A_175 = tpu.memref_slice %arg2[%add3A_71, %dma_start3A_174] : memref<64x100000xf32, #tpu.memory_space<hbm>> -> memref<1x100000xf32, #tpu.memory_space<hbm>>
      %dma_start3A_176 = tpu.memref_squeeze %dma_start3A_175 : memref<1x100000xf32, #tpu.memory_space<hbm>> -> memref<100000xf32, #tpu.memory_space<hbm>>
      %dma_start3A_177 = arith.constant 0 : i32
      %dma_start3A_178 = tpu.memref_slice %arg2[%add3A_71, %dma_start3A_177] : memref<64x100000xf32, #tpu.memory_space<hbm>> -> memref<1x100000xf32, #tpu.memory_space<hbm>>
      %dma_start3A_179 = tpu.memref_squeeze %dma_start3A_178 : memref<1x100000xf32, #tpu.memory_space<hbm>> -> memref<100000xf32, #tpu.memory_space<hbm>>
      tpu.enqueue_dma source(%dma_start3A_179 : memref<100000xf32, #tpu.memory_space<hbm>>) target(%arg6 : memref<100000xf32, #tpu.memory_space<vmem>>) target_semaphore(%run_scoped3A : memref<!tpu.dma_semaphore, #tpu.memory_space<semaphore_mem>>)
      %dma_wait3A_180 = arith.constant 0 : i32
      %dma_wait3A_181 = tpu.memref_slice %arg2[%add3A_71, %dma_wait3A_180] : memref<64x100000xf32, #tpu.memory_space<hbm>> -> memref<1x100000xf32, #tpu.memory_space<hbm>>
      %dma_wait3A_182 = tpu.memref_squeeze %dma_wait3A_181 : memref<1x100000xf32, #tpu.memory_space<hbm>> -> memref<100000xf32, #tpu.memory_space<hbm>>
      %dma_wait3A_183 = arith.constant 0 : i32
      %dma_wait3A_184 = tpu.memref_slice %arg2[%add3A_71, %dma_wait3A_183] : memref<64x100000xf32, #tpu.memory_space<hbm>> -> memref<1x100000xf32, #tpu.memory_space<hbm>>
      %dma_wait3A_185 = tpu.memref_squeeze %dma_wait3A_184 : memref<1x100000xf32, #tpu.memory_space<hbm>> -> memref<100000xf32, #tpu.memory_space<hbm>>
      tpu.wait_dma2 semaphore(%run_scoped3A : memref<!tpu.dma_semaphore, #tpu.memory_space<semaphore_mem>>) src(%dma_wait3A_185 : memref<100000xf32, #tpu.memory_space<hbm>>) dst(%arg6 : memref<100000xf32, #tpu.memory_space<vmem>>)
      tpu.yield
    }) : () -> ()
    %dma_wait3A_72 = arith.constant 0 : i32
    %dma_wait3A_73 = arith.constant 8192 : i32
    %dma_wait3A_74 = tpu.memref_slice %arg4[%add3A_4, %dma_wait3A_73] : memref<64x16384xf32, #tpu.memory_space<hbm>> -> memref<1x4096xf32, #tpu.memory_space<hbm>>
    %dma_wait3A_75 = tpu.memref_squeeze %dma_wait3A_74 : memref<1x4096xf32, #tpu.memory_space<hbm>> -> memref<4096xf32, #tpu.memory_space<hbm>>
    %dma_wait3A_76 = tpu.memref_slice %arg9[%dma_wait3A_72] : memref<2x!tpu.dma_semaphore, #tpu.memory_space<semaphore_mem>> -> memref<1x!tpu.dma_semaphore, #tpu.memory_space<semaphore_mem>>
    %dma_wait3A_77 = tpu.memref_squeeze %dma_wait3A_76 : memref<1x!tpu.dma_semaphore, #tpu.memory_space<semaphore_mem>> -> memref<!tpu.dma_semaphore, #tpu.memory_space<semaphore_mem>>
    %dma_wait3A_78 = arith.constant 8192 : i32
    %dma_wait3A_79 = tpu.memref_slice %arg4[%add3A_4, %dma_wait3A_78] : memref<64x16384xf32, #tpu.memory_space<hbm>> -> memref<1x4096xf32, #tpu.memory_space<hbm>>
    %dma_wait3A_80 = tpu.memref_squeeze %dma_wait3A_79 : memref<1x4096xf32, #tpu.memory_space<hbm>> -> memref<4096xf32, #tpu.memory_space<hbm>>
    tpu.wait_dma2 semaphore(%dma_wait3A_77 : memref<!tpu.dma_semaphore, #tpu.memory_space<semaphore_mem>>) src(%arg7 : memref<4096xf32, #tpu.memory_space<vmem>>) dst(%dma_wait3A_80 : memref<4096xf32, #tpu.memory_space<hbm>>)
    %parallel_loop3A_81 = arith.constant 0 : i32
    %parallel_loop3A_82 = arith.constant 4096 : i32
    %parallel_loop3A_83 = arith.constant 16 : i32
    scf.for %parallel_loop3A_174 = %parallel_loop3A_81 to %parallel_loop3A_82 step %parallel_loop3A_83  : i32 {
      %parallel_loop3A_175 = arith.index_cast %parallel_loop3A_174 : i32 to index
      %parallel_loop3A_176 = tpu.vector_load %arg5[%parallel_loop3A_175] {strides = array<i32>} : memref<16384xi32, #tpu.memory_space<vmem>>, vector<16xi32>,
      %parallel_loop3A_177 = tpu.vector_load_idx %arg6[%parallel_loop3A_176] : memref<100000xf32, #tpu.memory_space<vmem>>[vector<16xi32>], vector<16xf32>,
      %parallel_loop3A_178 = arith.constant 0 : i32
      %parallel_loop3A_179 = arith.subi %parallel_loop3A_174, %parallel_loop3A_178 : i32
      %parallel_loop3A_180 = arith.index_cast %parallel_loop3A_179 : i32 to index
      %parallel_loop3A_181 = tpu.vector_load %arg7[%parallel_loop3A_180] {strides = array<i32>} : memref<4096xf32, #tpu.memory_space<vmem>>, vector<16xf32>,
      tpu.vector_store %arg7[%parallel_loop3A_180], %parallel_loop3A_177 {strides = array<i32>} : memref<4096xf32, #tpu.memory_space<vmem>>, vector<16xf32>,
    } {sc.loop_unroll_factor = 16 : i64, sc.parallel_access}
    %dma_start3A_84 = arith.constant 0 : i32
    %dma_start3A_85 = arith.constant 0 : i32
    %dma_start3A_86 = tpu.memref_slice %arg4[%add3A_71, %dma_start3A_85] : memref<64x16384xf32, #tpu.memory_space<hbm>> -> memref<1x4096xf32, #tpu.memory_space<hbm>>
    %dma_start3A_87 = tpu.memref_squeeze %dma_start3A_86 : memref<1x4096xf32, #tpu.memory_space<hbm>> -> memref<4096xf32, #tpu.memory_space<hbm>>
    %dma_start3A_88 = tpu.memref_slice %arg9[%dma_start3A_84] : memref<2x!tpu.dma_semaphore, #tpu.memory_space<semaphore_mem>> -> memref<1x!tpu.dma_semaphore, #tpu.memory_space<semaphore_mem>>
    %dma_start3A_89 = tpu.memref_squeeze %dma_start3A_88 : memref<1x!tpu.dma_semaphore, #tpu.memory_space<semaphore_mem>> -> memref<!tpu.dma_semaphore, #tpu.memory_space<semaphore_mem>>
    %dma_start3A_90 = arith.constant 0 : i32
    %dma_start3A_91 = tpu.memref_slice %arg4[%add3A_71, %dma_start3A_90] : memref<64x16384xf32, #tpu.memory_space<hbm>> -> memref<1x4096xf32, #tpu.memory_space<hbm>>
    %dma_start3A_92 = tpu.memref_squeeze %dma_start3A_91 : memref<1x4096xf32, #tpu.memory_space<hbm>> -> memref<4096xf32, #tpu.memory_space<hbm>>
    tpu.enqueue_dma source(%arg7 : memref<4096xf32, #tpu.memory_space<vmem>>) target(%dma_start3A_92 : memref<4096xf32, #tpu.memory_space<hbm>>) target_semaphore(%dma_start3A_89 : memref<!tpu.dma_semaphore, #tpu.memory_space<semaphore_mem>>)
    %dma_wait3A_93 = arith.constant 1 : i32
    %dma_wait3A_94 = arith.constant 12288 : i32
    %dma_wait3A_95 = tpu.memref_slice %arg4[%add3A_4, %dma_wait3A_94] : memref<64x16384xf32, #tpu.memory_space<hbm>> -> memref<1x4096xf32, #tpu.memory_space<hbm>>
    %dma_wait3A_96 = tpu.memref_squeeze %dma_wait3A_95 : memref<1x4096xf32, #tpu.memory_space<hbm>> -> memref<4096xf32, #tpu.memory_space<hbm>>
    %dma_wait3A_97 = tpu.memref_slice %arg9[%dma_wait3A_93] : memref<2x!tpu.dma_semaphore, #tpu.memory_space<semaphore_mem>> -> memref<1x!tpu.dma_semaphore, #tpu.memory_space<semaphore_mem>>
    %dma_wait3A_98 = tpu.memref_squeeze %dma_wait3A_97 : memref<1x!tpu.dma_semaphore, #tpu.memory_space<semaphore_mem>> -> memref<!tpu.dma_semaphore, #tpu.memory_space<semaphore_mem>>
    %dma_wait3A_99 = arith.constant 12288 : i32
    %dma_wait3A_100 = tpu.memref_slice %arg4[%add3A_4, %dma_wait3A_99] : memref<64x16384xf32, #tpu.memory_space<hbm>> -> memref<1x4096xf32, #tpu.memory_space<hbm>>
    %dma_wait3A_101 = tpu.memref_squeeze %dma_wait3A_100 : memref<1x4096xf32, #tpu.memory_space<hbm>> -> memref<4096xf32, #tpu.memory_space<hbm>>
    tpu.wait_dma2 semaphore(%dma_wait3A_98 : memref<!tpu.dma_semaphore, #tpu.memory_space<semaphore_mem>>) src(%arg8 : memref<4096xf32, #tpu.memory_space<vmem>>) dst(%dma_wait3A_101 : memref<4096xf32, #tpu.memory_space<hbm>>)
    %parallel_loop3A_102 = arith.constant 4096 : i32
    %parallel_loop3A_103 = arith.constant 8192 : i32
    %parallel_loop3A_104 = arith.constant 16 : i32
    scf.for %parallel_loop3A_174 = %parallel_loop3A_102 to %parallel_loop3A_103 step %parallel_loop3A_104  : i32 {
      %parallel_loop3A_175 = arith.index_cast %parallel_loop3A_174 : i32 to index
      %parallel_loop3A_176 = tpu.vector_load %arg5[%parallel_loop3A_175] {strides = array<i32>} : memref<16384xi32, #tpu.memory_space<vmem>>, vector<16xi32>,
      %parallel_loop3A_177 = tpu.vector_load_idx %arg6[%parallel_loop3A_176] : memref<100000xf32, #tpu.memory_space<vmem>>[vector<16xi32>], vector<16xf32>,
      %parallel_loop3A_178 = arith.constant 4096 : i32
      %parallel_loop3A_179 = arith.subi %parallel_loop3A_174, %parallel_loop3A_178 : i32
      %parallel_loop3A_180 = arith.index_cast %parallel_loop3A_179 : i32 to index
      %parallel_loop3A_181 = tpu.vector_load %arg8[%parallel_loop3A_180] {strides = array<i32>} : memref<4096xf32, #tpu.memory_space<vmem>>, vector<16xf32>,
      tpu.vector_store %arg8[%parallel_loop3A_180], %parallel_loop3A_177 {strides = array<i32>} : memref<4096xf32, #tpu.memory_space<vmem>>, vector<16xf32>,
    } {sc.loop_unroll_factor = 16 : i64, sc.parallel_access}
    %dma_start3A_105 = arith.constant 1 : i32
    %dma_start3A_106 = arith.constant 4096 : i32
    %dma_start3A_107 = tpu.memref_slice %arg4[%add3A_71, %dma_start3A_106] : memref<64x16384xf32, #tpu.memory_space<hbm>> -> memref<1x4096xf32, #tpu.memory_space<hbm>>
    %dma_start3A_108 = tpu.memref_squeeze %dma_start3A_107 : memref<1x4096xf32, #tpu.memory_space<hbm>> -> memref<4096xf32, #tpu.memory_space<hbm>>
    %dma_start3A_109 = tpu.memref_slice %arg9[%dma_start3A_105] : memref<2x!tpu.dma_semaphore, #tpu.memory_space<semaphore_mem>> -> memref<1x!tpu.dma_semaphore, #tpu.memory_space<semaphore_mem>>
    %dma_start3A_110 = tpu.memref_squeeze %dma_start3A_109 : memref<1x!tpu.dma_semaphore, #tpu.memory_space<semaphore_mem>> -> memref<!tpu.dma_semaphore, #tpu.memory_space<semaphore_mem>>
    %dma_start3A_111 = arith.constant 4096 : i32
    %dma_start3A_112 = tpu.memref_slice %arg4[%add3A_71, %dma_start3A_111] : memref<64x16384xf32, #tpu.memory_space<hbm>> -> memref<1x4096xf32, #tpu.memory_space<hbm>>
    %dma_start3A_113 = tpu.memref_squeeze %dma_start3A_112 : memref<1x4096xf32, #tpu.memory_space<hbm>> -> memref<4096xf32, #tpu.memory_space<hbm>>
    tpu.enqueue_dma source(%arg8 : memref<4096xf32, #tpu.memory_space<vmem>>) target(%dma_start3A_113 : memref<4096xf32, #tpu.memory_space<hbm>>) target_semaphore(%dma_start3A_110 : memref<!tpu.dma_semaphore, #tpu.memory_space<semaphore_mem>>)
    %dma_wait3A_114 = arith.constant 0 : i32
    %dma_wait3A_115 = arith.constant 0 : i32
    %dma_wait3A_116 = tpu.memref_slice %arg4[%add3A_71, %dma_wait3A_115] : memref<64x16384xf32, #tpu.memory_space<hbm>> -> memref<1x4096xf32, #tpu.memory_space<hbm>>
    %dma_wait3A_117 = tpu.memref_squeeze %dma_wait3A_116 : memref<1x4096xf32, #tpu.memory_space<hbm>> -> memref<4096xf32, #tpu.memory_space<hbm>>
    %dma_wait3A_118 = tpu.memref_slice %arg9[%dma_wait3A_114] : memref<2x!tpu.dma_semaphore, #tpu.memory_space<semaphore_mem>> -> memref<1x!tpu.dma_semaphore, #tpu.memory_space<semaphore_mem>>
    %dma_wait3A_119 = tpu.memref_squeeze %dma_wait3A_118 : memref<1x!tpu.dma_semaphore, #tpu.memory_space<semaphore_mem>> -> memref<!tpu.dma_semaphore, #tpu.memory_space<semaphore_mem>>
    %dma_wait3A_120 = arith.constant 0 : i32
    %dma_wait3A_121 = tpu.memref_slice %arg4[%add3A_71, %dma_wait3A_120] : memref<64x16384xf32, #tpu.memory_space<hbm>> -> memref<1x4096xf32, #tpu.memory_space<hbm>>
    %dma_wait3A_122 = tpu.memref_squeeze %dma_wait3A_121 : memref<1x4096xf32, #tpu.memory_space<hbm>> -> memref<4096xf32, #tpu.memory_space<hbm>>
    tpu.wait_dma2 semaphore(%dma_wait3A_119 : memref<!tpu.dma_semaphore, #tpu.memory_space<semaphore_mem>>) src(%arg7 : memref<4096xf32, #tpu.memory_space<vmem>>) dst(%dma_wait3A_122 : memref<4096xf32, #tpu.memory_space<hbm>>)
    %parallel_loop3A_123 = arith.constant 8192 : i32
    %parallel_loop3A_124 = arith.constant 12288 : i32
    %parallel_loop3A_125 = arith.constant 16 : i32
    scf.for %parallel_loop3A_174 = %parallel_loop3A_123 to %parallel_loop3A_124 step %parallel_loop3A_125  : i32 {
      %parallel_loop3A_175 = arith.index_cast %parallel_loop3A_174 : i32 to index
      %parallel_loop3A_176 = tpu.vector_load %arg5[%parallel_loop3A_175] {strides = array<i32>} : memref<16384xi32, #tpu.memory_space<vmem>>, vector<16xi32>,
      %parallel_loop3A_177 = tpu.vector_load_idx %arg6[%parallel_loop3A_176] : memref<100000xf32, #tpu.memory_space<vmem>>[vector<16xi32>], vector<16xf32>,
      %parallel_loop3A_178 = arith.constant 8192 : i32
      %parallel_loop3A_179 = arith.subi %parallel_loop3A_174, %parallel_loop3A_178 : i32
      %parallel_loop3A_180 = arith.index_cast %parallel_loop3A_179 : i32 to index
      %parallel_loop3A_181 = tpu.vector_load %arg7[%parallel_loop3A_180] {strides = array<i32>} : memref<4096xf32, #tpu.memory_space<vmem>>, vector<16xf32>,
      tpu.vector_store %arg7[%parallel_loop3A_180], %parallel_loop3A_177 {strides = array<i32>} : memref<4096xf32, #tpu.memory_space<vmem>>, vector<16xf32>,
    } {sc.loop_unroll_factor = 16 : i64, sc.parallel_access}
    %dma_start3A_126 = arith.constant 0 : i32
    %dma_start3A_127 = arith.constant 8192 : i32
    %dma_start3A_128 = tpu.memref_slice %arg4[%add3A_71, %dma_start3A_127] : memref<64x16384xf32, #tpu.memory_space<hbm>> -> memref<1x4096xf32, #tpu.memory_space<hbm>>
    %dma_start3A_129 = tpu.memref_squeeze %dma_start3A_128 : memref<1x4096xf32, #tpu.memory_space<hbm>> -> memref<4096xf32, #tpu.memory_space<hbm>>
    %dma_start3A_130 = tpu.memref_slice %arg9[%dma_start3A_126] : memref<2x!tpu.dma_semaphore, #tpu.memory_space<semaphore_mem>> -> memref<1x!tpu.dma_semaphore, #tpu.memory_space<semaphore_mem>>
    %dma_start3A_131 = tpu.memref_squeeze %dma_start3A_130 : memref<1x!tpu.dma_semaphore, #tpu.memory_space<semaphore_mem>> -> memref<!tpu.dma_semaphore, #tpu.memory_space<semaphore_mem>>
    %dma_start3A_132 = arith.constant 8192 : i32
    %dma_start3A_133 = tpu.memref_slice %arg4[%add3A_71, %dma_start3A_132] : memref<64x16384xf32, #tpu.memory_space<hbm>> -> memref<1x4096xf32, #tpu.memory_space<hbm>>
    %dma_start3A_134 = tpu.memref_squeeze %dma_start3A_133 : memref<1x4096xf32, #tpu.memory_space<hbm>> -> memref<4096xf32, #tpu.memory_space<hbm>>
    tpu.enqueue_dma source(%arg7 : memref<4096xf32, #tpu.memory_space<vmem>>) target(%dma_start3A_134 : memref<4096xf32, #tpu.memory_space<hbm>>) target_semaphore(%dma_start3A_131 : memref<!tpu.dma_semaphore, #tpu.memory_space<semaphore_mem>>)
    %dma_wait3A_135 = arith.constant 1 : i32
    %dma_wait3A_136 = arith.constant 4096 : i32
    %dma_wait3A_137 = tpu.memref_slice %arg4[%add3A_71, %dma_wait3A_136] : memref<64x16384xf32, #tpu.memory_space<hbm>> -> memref<1x4096xf32, #tpu.memory_space<hbm>>
    %dma_wait3A_138 = tpu.memref_squeeze %dma_wait3A_137 : memref<1x4096xf32, #tpu.memory_space<hbm>> -> memref<4096xf32, #tpu.memory_space<hbm>>
    %dma_wait3A_139 = tpu.memref_slice %arg9[%dma_wait3A_135] : memref<2x!tpu.dma_semaphore, #tpu.memory_space<semaphore_mem>> -> memref<1x!tpu.dma_semaphore, #tpu.memory_space<semaphore_mem>>
    %dma_wait3A_140 = tpu.memref_squeeze %dma_wait3A_139 : memref<1x!tpu.dma_semaphore, #tpu.memory_space<semaphore_mem>> -> memref<!tpu.dma_semaphore, #tpu.memory_space<semaphore_mem>>
    %dma_wait3A_141 = arith.constant 4096 : i32
    %dma_wait3A_142 = tpu.memref_slice %arg4[%add3A_71, %dma_wait3A_141] : memref<64x16384xf32, #tpu.memory_space<hbm>> -> memref<1x4096xf32, #tpu.memory_space<hbm>>
    %dma_wait3A_143 = tpu.memref_squeeze %dma_wait3A_142 : memref<1x4096xf32, #tpu.memory_space<hbm>> -> memref<4096xf32, #tpu.memory_space<hbm>>
    tpu.wait_dma2 semaphore(%dma_wait3A_140 : memref<!tpu.dma_semaphore, #tpu.memory_space<semaphore_mem>>) src(%arg8 : memref<4096xf32, #tpu.memory_space<vmem>>) dst(%dma_wait3A_143 : memref<4096xf32, #tpu.memory_space<hbm>>)
    %parallel_loop3A_144 = arith.constant 12288 : i32
    %parallel_loop3A_145 = arith.constant 16384 : i32
    %parallel_loop3A_146 = arith.constant 16 : i32
    scf.for %parallel_loop3A_174 = %parallel_loop3A_144 to %parallel_loop3A_145 step %parallel_loop3A_146  : i32 {
      %parallel_loop3A_175 = arith.index_cast %parallel_loop3A_174 : i32 to index
      %parallel_loop3A_176 = tpu.vector_load %arg5[%parallel_loop3A_175] {strides = array<i32>} : memref<16384xi32, #tpu.memory_space<vmem>>, vector<16xi32>,
      %parallel_loop3A_177 = tpu.vector_load_idx %arg6[%parallel_loop3A_176] : memref<100000xf32, #tpu.memory_space<vmem>>[vector<16xi32>], vector<16xf32>,
      %parallel_loop3A_178 = arith.constant 12288 : i32
      %parallel_loop3A_179 = arith.subi %parallel_loop3A_174, %parallel_loop3A_178 : i32
      %parallel_loop3A_180 = arith.index_cast %parallel_loop3A_179 : i32 to index
      %parallel_loop3A_181 = tpu.vector_load %arg8[%parallel_loop3A_180] {strides = array<i32>} : memref<4096xf32, #tpu.memory_space<vmem>>, vector<16xf32>,
      tpu.vector_store %arg8[%parallel_loop3A_180], %parallel_loop3A_177 {strides = array<i32>} : memref<4096xf32, #tpu.memory_space<vmem>>, vector<16xf32>,
    } {sc.loop_unroll_factor = 16 : i64, sc.parallel_access}
    %dma_start3A_147 = arith.constant 1 : i32
    %dma_start3A_148 = arith.constant 12288 : i32
    %dma_start3A_149 = tpu.memref_slice %arg4[%add3A_71, %dma_start3A_148] : memref<64x16384xf32, #tpu.memory_space<hbm>> -> memref<1x4096xf32, #tpu.memory_space<hbm>>
    %dma_start3A_150 = tpu.memref_squeeze %dma_start3A_149 : memref<1x4096xf32, #tpu.memory_space<hbm>> -> memref<4096xf32, #tpu.memory_space<hbm>>
    %dma_start3A_151 = tpu.memref_slice %arg9[%dma_start3A_147] : memref<2x!tpu.dma_semaphore, #tpu.memory_space<semaphore_mem>> -> memref<1x!tpu.dma_semaphore, #tpu.memory_space<semaphore_mem>>
    %dma_start3A_152 = tpu.memref_squeeze %dma_start3A_151 : memref<1x!tpu.dma_semaphore, #tpu.memory_space<semaphore_mem>> -> memref<!tpu.dma_semaphore, #tpu.memory_space<semaphore_mem>>
    %dma_start3A_153 = arith.constant 12288 : i32
    %dma_start3A_154 = tpu.memref_slice %arg4[%add3A_71, %dma_start3A_153] : memref<64x16384xf32, #tpu.memory_space<hbm>> -> memref<1x4096xf32, #tpu.memory_space<hbm>>
    %dma_start3A_155 = tpu.memref_squeeze %dma_start3A_154 : memref<1x4096xf32, #tpu.memory_space<hbm>> -> memref<4096xf32, #tpu.memory_space<hbm>>
    tpu.enqueue_dma source(%arg8 : memref<4096xf32, #tpu.memory_space<vmem>>) target(%dma_start3A_155 : memref<4096xf32, #tpu.memory_space<hbm>>) target_semaphore(%dma_start3A_152 : memref<!tpu.dma_semaphore, #tpu.memory_space<semaphore_mem>>)
    %dma_wait3A_156 = arith.constant 0 : i32
    %dma_wait3A_157 = arith.constant 8192 : i32
    %dma_wait3A_158 = tpu.memref_slice %arg4[%add3A_71, %dma_wait3A_157] : memref<64x16384xf32, #tpu.memory_space<hbm>> -> memref<1x4096xf32, #tpu.memory_space<hbm>>
    %dma_wait3A_159 = tpu.memref_squeeze %dma_wait3A_158 : memref<1x4096xf32, #tpu.memory_space<hbm>> -> memref<4096xf32, #tpu.memory_space<hbm>>
    %dma_wait3A_160 = tpu.memref_slice %arg9[%dma_wait3A_156] : memref<2x!tpu.dma_semaphore, #tpu.memory_space<semaphore_mem>> -> memref<1x!tpu.dma_semaphore, #tpu.memory_space<semaphore_mem>>
    %dma_wait3A_161 = tpu.memref_squeeze %dma_wait3A_160 : memref<1x!tpu.dma_semaphore, #tpu.memory_space<semaphore_mem>> -> memref<!tpu.dma_semaphore, #tpu.memory_space<semaphore_mem>>
    %dma_wait3A_162 = arith.constant 8192 : i32
    %dma_wait3A_163 = tpu.memref_slice %arg4[%add3A_71, %dma_wait3A_162] : memref<64x16384xf32, #tpu.memory_space<hbm>> -> memref<1x4096xf32, #tpu.memory_space<hbm>>
    %dma_wait3A_164 = tpu.memref_squeeze %dma_wait3A_163 : memref<1x4096xf32, #tpu.memory_space<hbm>> -> memref<4096xf32, #tpu.memory_space<hbm>>
    tpu.wait_dma2 semaphore(%dma_wait3A_161 : memref<!tpu.dma_semaphore, #tpu.memory_space<semaphore_mem>>) src(%arg7 : memref<4096xf32, #tpu.memory_space<vmem>>) dst(%dma_wait3A_164 : memref<4096xf32, #tpu.memory_space<hbm>>)
    %dma_wait3A_165 = arith.constant 1 : i32
    %dma_wait3A_166 = arith.constant 12288 : i32
    %dma_wait3A_167 = tpu.memref_slice %arg4[%add3A_71, %dma_wait3A_166] : memref<64x16384xf32, #tpu.memory_space<hbm>> -> memref<1x4096xf32, #tpu.memory_space<hbm>>
    %dma_wait3A_168 = tpu.memref_squeeze %dma_wait3A_167 : memref<1x4096xf32, #tpu.memory_space<hbm>> -> memref<4096xf32, #tpu.memory_space<hbm>>
    %dma_wait3A_169 = tpu.memref_slice %arg9[%dma_wait3A_165] : memref<2x!tpu.dma_semaphore, #tpu.memory_space<semaphore_mem>> -> memref<1x!tpu.dma_semaphore, #tpu.memory_space<semaphore_mem>>
    %dma_wait3A_170 = tpu.memref_squeeze %dma_wait3A_169 : memref<1x!tpu.dma_semaphore, #tpu.memory_space<semaphore_mem>> -> memref<!tpu.dma_semaphore, #tpu.memory_space<semaphore_mem>>
    %dma_wait3A_171 = arith.constant 12288 : i32
    %dma_wait3A_172 = tpu.memref_slice %arg4[%add3A_71, %dma_wait3A_171] : memref<64x16384xf32, #tpu.memory_space<hbm>> -> memref<1x4096xf32, #tpu.memory_space<hbm>>
    %dma_wait3A_173 = tpu.memref_squeeze %dma_wait3A_172 : memref<1x4096xf32, #tpu.memory_space<hbm>> -> memref<4096xf32, #tpu.memory_space<hbm>>
    tpu.wait_dma2 semaphore(%dma_wait3A_170 : memref<!tpu.dma_semaphore, #tpu.memory_space<semaphore_mem>>) src(%arg8 : memref<4096xf32, #tpu.memory_space<vmem>>) dst(%dma_wait3A_173 : memref<4096xf32, #tpu.memory_space<hbm>>)
    return
  }
}

module attributes {stable_mosaic.version = 14 : i64} {
  func.func @_tc_pos_body(%arg0: i32, %arg1: memref<64x8192xf32, #tpu.memory_space<vmem>>, %arg2: memref<64x8192xf32, #tpu.memory_space<vmem>>, %arg3: memref<1x1xf32, #tpu.memory_space<vmem>>, %arg4: memref<1x1xf32, #tpu.memory_space<vmem>>) attributes {dimension_semantics = [#tpu.dimension_semantics<arbitrary>], iteration_bounds = array<i64: 2>, scalar_prefetch = 0 : i64, scratch_operands = 0 : i64, tpu.core_type = #tpu.core_type<tc>, window_params = [{transform_indices = @transform_0, window_bounds = array<i64: 64, 8192>}, {transform_indices = @transform_1, window_bounds = array<i64: 64, 8192>}, {pipeline_mode = #tpu.pipeline_mode<synchronous>, transform_indices = @transform_2, window_bounds = array<i64: 1, 1>}, {pipeline_mode = #tpu.pipeline_mode<synchronous>, transform_indices = @transform_3, window_bounds = array<i64: 1, 1>}]} {
    %get3A = arith.constant 0 : index
    %get3A_0 = arith.constant 0 : index
    %get3A_1 = vector.load %arg1[%get3A, %get3A_0] : memref<64x8192xf32, #tpu.memory_space<vmem>>, vector<64x8192xf32>
    %get3A_2 = arith.constant 0 : index
    %get3A_3 = arith.constant 0 : index
    %get3A_4 = vector.load %arg2[%get3A_2, %get3A_3] : memref<64x8192xf32, #tpu.memory_space<vmem>>, vector<64x8192xf32>
    %mul3A = arith.mulf %get3A_1, %get3A_4 : vector<64x8192xf32>
    %reduce_sum3A = arith.constant dense<0.000000e+00> : vector<8192xf32>
    %reduce_sum3A_5 = vector.multi_reduction <add>, %mul3A, %reduce_sum3A [0] : vector<64x8192xf32> to vector<8192xf32>
    %broadcast_in_dim3A = vector.shape_cast %reduce_sum3A_5 : vector<8192xf32> to vector<1x8192xf32>
    %min3A = arith.constant 0.000000e+00 : f32
    %min3A_6 = vector.broadcast %min3A : f32 to vector<1x8192xf32>
    %min3A_7 = arith.minimumf %broadcast_in_dim3A, %min3A_6 : vector<1x8192xf32>
    %abs3A = math.absf %broadcast_in_dim3A : vector<1x8192xf32>
    %neg3A = arith.constant 0.000000e+00 : f32
    %neg3A_8 = vector.broadcast %neg3A : f32 to vector<1x8192xf32>
    %neg3A_9 = arith.subf %neg3A_8, %abs3A : vector<1x8192xf32>
    %exp3A = math.exp %neg3A_9 : vector<1x8192xf32>
    %log1p3A = math.log1p %exp3A : vector<1x8192xf32>
    %sub3A = arith.subf %min3A_7, %log1p3A : vector<1x8192xf32>
    %reduce_sum3A_10 = vector.shape_cast %sub3A : vector<1x8192xf32> to vector<1x1x8192xf32>
    %reduce_sum3A_11 = arith.constant dense<0.000000e+00> : vector<1xf32>
    %reduce_sum3A_12 = vector.multi_reduction <add>, %reduce_sum3A_10, %reduce_sum3A_11 [1, 2] : vector<1x1x8192xf32> to vector<1xf32>
    %reduce_sum3A_13 = vector.shape_cast %reduce_sum3A_12 : vector<1xf32> to vector<1x1x1xf32>
    %reduce_sum3A_14 = vector.extract %reduce_sum3A_13[0, 0, 0] : f32 from vector<1x1x1xf32>
    %eq3A = arith.constant 0 : i32
    %eq3A_15 = arith.cmpi eq, %arg0, %eq3A : i32
    %convert_element_type3A = arith.extui %eq3A_15 : i1 to i32
    %cond3A = arith.constant 0 : i32
    %cond3A_16 = arith.cmpi ne, %convert_element_type3A, %cond3A : i32
    scf.if %cond3A_16 {
      %broadcast_in_dim3A_28 = arith.constant 0.000000e+00 : f32
      %broadcast_in_dim3A_29 = vector.broadcast %broadcast_in_dim3A_28 : f32 to vector<1x1xf32>
      %swap3A_30 = arith.constant 0 : index
      %swap3A_31 = arith.constant 0 : index
      %swap3A_32 = vector.load %arg4[%swap3A_30, %swap3A_31] : memref<1x1xf32, #tpu.memory_space<vmem>>, vector<1x1xf32>
      tpu.vector_store %arg4[%swap3A_30, %swap3A_31], %broadcast_in_dim3A_29 {strides = array<i32>} : memref<1x1xf32, #tpu.memory_space<vmem>>, vector<1x1xf32>,
    } else {
    }
    %get3A_17 = arith.constant 0 : index
    %get3A_18 = arith.constant 0 : index
    %get3A_19 = vector.load %arg4[%get3A_17, %get3A_18] : memref<1x1xf32, #tpu.memory_space<vmem>>, vector<1x1xf32>
    %broadcast_in_dim3A_20 = vector.broadcast %reduce_sum3A_14 : f32 to vector<1x1xf32>
    %add3A = arith.addf %get3A_19, %broadcast_in_dim3A_20 : vector<1x1xf32>
    %swap3A = arith.constant 0 : index
    %swap3A_21 = arith.constant 0 : index
    %swap3A_22 = vector.load %arg4[%swap3A, %swap3A_21] : memref<1x1xf32, #tpu.memory_space<vmem>>, vector<1x1xf32>
    tpu.vector_store %arg4[%swap3A, %swap3A_21], %add3A {strides = array<i32>} : memref<1x1xf32, #tpu.memory_space<vmem>>, vector<1x1xf32>,
    %eq3A_23 = arith.constant 1 : i32
    %eq3A_24 = arith.cmpi eq, %arg0, %eq3A_23 : i32
    %convert_element_type3A_25 = arith.extui %eq3A_24 : i1 to i32
    %cond3A_26 = arith.constant 0 : i32
    %cond3A_27 = arith.cmpi ne, %convert_element_type3A_25, %cond3A_26 : i32
    scf.if %cond3A_27 {
      %get3A_28 = arith.constant 0 : index
      %get3A_29 = arith.constant 0 : index
      %get3A_30 = vector.load %arg4[%get3A_28, %get3A_29] : memref<1x1xf32, #tpu.memory_space<vmem>>, vector<1x1xf32>
      %get3A_31 = arith.constant 0 : index
      %get3A_32 = arith.constant 0 : index
      %get3A_33 = vector.load %arg3[%get3A_31, %get3A_32] : memref<1x1xf32, #tpu.memory_space<vmem>>, vector<1x1xf32>
      %add3A_34 = arith.addf %get3A_30, %get3A_33 : vector<1x1xf32>
      %mul3A_35 = arith.constant -6.10351563E-5 : f32
      %mul3A_36 = vector.broadcast %mul3A_35 : f32 to vector<1x1xf32>
      %mul3A_37 = arith.mulf %add3A_34, %mul3A_36 : vector<1x1xf32>
      %swap3A_38 = arith.constant 0 : index
      %swap3A_39 = arith.constant 0 : index
      %swap3A_40 = vector.load %arg4[%swap3A_38, %swap3A_39] : memref<1x1xf32, #tpu.memory_space<vmem>>, vector<1x1xf32>
      tpu.vector_store %arg4[%swap3A_38, %swap3A_39], %mul3A_37 {strides = array<i32>} : memref<1x1xf32, #tpu.memory_space<vmem>>, vector<1x1xf32>,
    } else {
    }
    return
  }
  func.func @transform_0(%arg0: i32) -> (i32, i32) {
    %c0_i32 = arith.constant 0 : i32
    %c0_i32_0 = arith.constant 0 : i32
    return %c0_i32, %arg0 : i32, i32
  }
  func.func @transform_1(%arg0: i32) -> (i32, i32) {
    %c0_i32 = arith.constant 0 : i32
    %c0_i32_0 = arith.constant 0 : i32
    return %c0_i32, %arg0 : i32, i32
  }
  func.func @transform_2(%arg0: i32) -> (i32, i32) {
    %c0_i32 = arith.constant 0 : i32
    %c0_i32_0 = arith.constant 0 : i32
    %c0_i32_1 = arith.constant 0 : i32
    return %c0_i32, %c0_i32_0 : i32, i32
  }
  func.func @transform_3(%arg0: i32) -> (i32, i32) {
    %c0_i32 = arith.constant 0 : i32
    %c0_i32_0 = arith.constant 0 : i32
    %c0_i32_1 = arith.constant 0 : i32
    return %c0_i32, %c0_i32_0 : i32, i32
  }
}

module attributes {stable_mosaic.version = 14 : i64} {
  func.func @_tc_neg_body(%arg0: i32, %arg1: memref<64x2048xf32, #tpu.memory_space<vmem>>, %arg2: memref<64x64xf32, #tpu.memory_space<vmem>>, %arg3: memref<1x1x2048xi32, #tpu.memory_space<vmem>>, %arg4: memref<1x1x2048xi32, #tpu.memory_space<vmem>>, %arg5: memref<1x1x2048xi32, #tpu.memory_space<vmem>>, %arg6: memref<1x1xf32, #tpu.memory_space<vmem>>) attributes {dimension_semantics = [#tpu.dimension_semantics<arbitrary>], iteration_bounds = array<i64: 8>, scalar_prefetch = 0 : i64, scratch_operands = 0 : i64, tpu.core_type = #tpu.core_type<tc>, window_params = [{transform_indices = @transform_0, window_bounds = array<i64: 64, 2048>}, {pipeline_mode = #tpu.pipeline_mode<synchronous>, transform_indices = @transform_1, window_bounds = array<i64: 64, 64>}, {transform_indices = @transform_2, window_bounds = array<i64: 1, 1, 2048>}, {transform_indices = @transform_3, window_bounds = array<i64: 1, 1, 2048>}, {transform_indices = @transform_4, window_bounds = array<i64: 1, 1, 2048>}, {pipeline_mode = #tpu.pipeline_mode<synchronous>, transform_indices = @transform_5, window_bounds = array<i64: 1, 1>}]} {
    %get3A = arith.constant 0 : index
    %get3A_0 = arith.constant 0 : index
    %get3A_1 = vector.load %arg1[%get3A, %get3A_0] : memref<64x2048xf32, #tpu.memory_space<vmem>>, vector<64x2048xf32>
    %get3A_2 = arith.constant 0 : index
    %get3A_3 = arith.constant 0 : index
    %get3A_4 = vector.load %arg2[%get3A_2, %get3A_3] : memref<64x64xf32, #tpu.memory_space<vmem>>, vector<64x64xf32>
    %get3A_5 = arith.constant 0 : index
    %get3A_6 = arith.constant 0 : index
    %get3A_7 = arith.constant 0 : index
    %get3A_8 = vector.load %arg3[%get3A_5, %get3A_6, %get3A_7] : memref<1x1x2048xi32, #tpu.memory_space<vmem>>, vector<1x1x2048xi32>
    %get3A_9 = vector.shape_cast %get3A_8 : vector<1x1x2048xi32> to vector<1x2048xi32>
    %get3A_10 = arith.constant 0 : index
    %get3A_11 = arith.constant 0 : index
    %get3A_12 = arith.constant 0 : index
    %get3A_13 = vector.load %arg4[%get3A_10, %get3A_11, %get3A_12] : memref<1x1x2048xi32, #tpu.memory_space<vmem>>, vector<1x1x2048xi32>
    %get3A_14 = vector.shape_cast %get3A_13 : vector<1x1x2048xi32> to vector<1x2048xi32>
    %get3A_15 = arith.constant 0 : index
    %get3A_16 = arith.constant 0 : index
    %get3A_17 = arith.constant 0 : index
    %get3A_18 = vector.load %arg5[%get3A_15, %get3A_16, %get3A_17] : memref<1x1x2048xi32, #tpu.memory_space<vmem>>, vector<1x1x2048xi32>
    %get3A_19 = vector.shape_cast %get3A_18 : vector<1x1x2048xi32> to vector<1x2048xi32>
    %dot_general3A = arith.constant dense<0.000000e+00> : vector<64x2048xf32>
    %dot_general3A_20 = tpu.matmul %get3A_4, %get3A_1, %dot_general3A {dimension_numbers = #tpu.dot_dimension_numbers<[0], [0], [1], [1], [0, 1, 1, 1], [], []>, transpose_lhs_hint = false} : vector<64x64xf32>, vector<64x2048xf32>, vector<64x2048xf32> -> vector<64x2048xf32>
    %iota3A = tpu.iota {dimensions = array<i32: 0>} : vector<64x2048xi32>
    %shift_right_arithmetic3A = arith.constant 0 : i32
    %shift_right_arithmetic3A_21 = vector.broadcast %shift_right_arithmetic3A : i32 to vector<1x2048xi32>
    %shift_right_arithmetic3A_22 = arith.shrsi %get3A_14, %shift_right_arithmetic3A_21 : vector<1x2048xi32>
    %and3A = arith.constant 63 : i32
    %and3A_23 = vector.broadcast %and3A : i32 to vector<1x2048xi32>
    %and3A_24 = arith.andi %shift_right_arithmetic3A_22, %and3A_23 : vector<1x2048xi32>
    %shift_right_arithmetic3A_25 = arith.constant 0 : i32
    %shift_right_arithmetic3A_26 = vector.broadcast %shift_right_arithmetic3A_25 : i32 to vector<1x2048xi32>
    %shift_right_arithmetic3A_27 = arith.shrsi %get3A_19, %shift_right_arithmetic3A_26 : vector<1x2048xi32>
    %and3A_28 = arith.constant 63 : i32
    %and3A_29 = vector.broadcast %and3A_28 : i32 to vector<1x2048xi32>
    %and3A_30 = arith.andi %shift_right_arithmetic3A_27, %and3A_29 : vector<1x2048xi32>
    %eq3A = arith.cmpi eq, %and3A_24, %get3A_9 : vector<1x2048xi32>
    %select_n3A = arith.select %eq3A, %and3A_30, %and3A_24 : vector<1x2048xi1>, vector<1x2048xi32>
    %eq3A_31 = vector.broadcast %select_n3A : vector<1x2048xi32> to vector<64x2048xi32>
    %eq3A_32 = arith.cmpi eq, %iota3A, %eq3A_31 : vector<64x2048xi32>
    %jit3A = arith.constant 0.000000e+00 : f32
    %broadcast_in_dim3A = vector.broadcast %jit3A : f32 to vector<64x2048xf32>
    %select_n3A_33 = arith.select %eq3A_32, %dot_general3A_20, %broadcast_in_dim3A : vector<64x2048xi1>, vector<64x2048xf32>
    %reduce_sum3A = arith.constant dense<0.000000e+00> : vector<2048xf32>
    %reduce_sum3A_34 = vector.multi_reduction <add>, %select_n3A_33, %reduce_sum3A [0] : vector<64x2048xf32> to vector<2048xf32>
    %broadcast_in_dim3A_35 = vector.shape_cast %reduce_sum3A_34 : vector<2048xf32> to vector<1x2048xf32>
    %neg3A = arith.constant 0.000000e+00 : f32
    %neg3A_36 = vector.broadcast %neg3A : f32 to vector<1x2048xf32>
    %neg3A_37 = arith.subf %neg3A_36, %broadcast_in_dim3A_35 : vector<1x2048xf32>
    %min3A = arith.constant 0.000000e+00 : f32
    %min3A_38 = vector.broadcast %min3A : f32 to vector<1x2048xf32>
    %min3A_39 = arith.minimumf %neg3A_37, %min3A_38 : vector<1x2048xf32>
    %abs3A = math.absf %neg3A_37 : vector<1x2048xf32>
    %neg3A_40 = arith.constant 0.000000e+00 : f32
    %neg3A_41 = vector.broadcast %neg3A_40 : f32 to vector<1x2048xf32>
    %neg3A_42 = arith.subf %neg3A_41, %abs3A : vector<1x2048xf32>
    %exp3A = math.exp %neg3A_42 : vector<1x2048xf32>
    %log1p3A = math.log1p %exp3A : vector<1x2048xf32>
    %sub3A = arith.subf %min3A_39, %log1p3A : vector<1x2048xf32>
    %reduce_sum3A_43 = vector.shape_cast %sub3A : vector<1x2048xf32> to vector<1x1x2048xf32>
    %reduce_sum3A_44 = arith.constant dense<0.000000e+00> : vector<1xf32>
    %reduce_sum3A_45 = vector.multi_reduction <add>, %reduce_sum3A_43, %reduce_sum3A_44 [1, 2] : vector<1x1x2048xf32> to vector<1xf32>
    %reduce_sum3A_46 = vector.shape_cast %reduce_sum3A_45 : vector<1xf32> to vector<1x1x1xf32>
    %reduce_sum3A_47 = vector.extract %reduce_sum3A_46[0, 0, 0] : f32 from vector<1x1x1xf32>
    %add3A = arith.constant 0.000000e+00 : f32
    %add3A_48 = arith.addf %add3A, %reduce_sum3A_47 : f32
    %shift_right_arithmetic3A_49 = arith.constant 6 : i32
    %shift_right_arithmetic3A_50 = vector.broadcast %shift_right_arithmetic3A_49 : i32 to vector<1x2048xi32>
    %shift_right_arithmetic3A_51 = arith.shrsi %get3A_14, %shift_right_arithmetic3A_50 : vector<1x2048xi32>
    %and3A_52 = arith.constant 63 : i32
    %and3A_53 = vector.broadcast %and3A_52 : i32 to vector<1x2048xi32>
    %and3A_54 = arith.andi %shift_right_arithmetic3A_51, %and3A_53 : vector<1x2048xi32>
    %shift_right_arithmetic3A_55 = arith.constant 6 : i32
    %shift_right_arithmetic3A_56 = vector.broadcast %shift_right_arithmetic3A_55 : i32 to vector<1x2048xi32>
    %shift_right_arithmetic3A_57 = arith.shrsi %get3A_19, %shift_right_arithmetic3A_56 : vector<1x2048xi32>
    %and3A_58 = arith.constant 63 : i32
    %and3A_59 = vector.broadcast %and3A_58 : i32 to vector<1x2048xi32>
    %and3A_60 = arith.andi %shift_right_arithmetic3A_57, %and3A_59 : vector<1x2048xi32>
    %eq3A_61 = arith.cmpi eq, %and3A_54, %get3A_9 : vector<1x2048xi32>
    %select_n3A_62 = arith.select %eq3A_61, %and3A_60, %and3A_54 : vector<1x2048xi1>, vector<1x2048xi32>
    %eq3A_63 = vector.broadcast %select_n3A_62 : vector<1x2048xi32> to vector<64x2048xi32>
    %eq3A_64 = arith.cmpi eq, %iota3A, %eq3A_63 : vector<64x2048xi32>
    %jit3A_65 = arith.constant 0.000000e+00 : f32
    %broadcast_in_dim3A_66 = vector.broadcast %jit3A_65 : f32 to vector<64x2048xf32>
    %select_n3A_67 = arith.select %eq3A_64, %dot_general3A_20, %broadcast_in_dim3A_66 : vector<64x2048xi1>, vector<64x2048xf32>
    %reduce_sum3A_68 = arith.constant dense<0.000000e+00> : vector<2048xf32>
    %reduce_sum3A_69 = vector.multi_reduction <add>, %select_n3A_67, %reduce_sum3A_68 [0] : vector<64x2048xf32> to vector<2048xf32>
    %broadcast_in_dim3A_70 = vector.shape_cast %reduce_sum3A_69 : vector<2048xf32> to vector<1x2048xf32>
    %neg3A_71 = arith.constant 0.000000e+00 : f32
    %neg3A_72 = vector.broadcast %neg3A_71 : f32 to vector<1x2048xf32>
    %neg3A_73 = arith.subf %neg3A_72, %broadcast_in_dim3A_70 : vector<1x2048xf32>
    %min3A_74 = arith.constant 0.000000e+00 : f32
    %min3A_75 = vector.broadcast %min3A_74 : f32 to vector<1x2048xf32>
    %min3A_76 = arith.minimumf %neg3A_73, %min3A_75 : vector<1x2048xf32>
    %abs3A_77 = math.absf %neg3A_73 : vector<1x2048xf32>
    %neg3A_78 = arith.constant 0.000000e+00 : f32
    %neg3A_79 = vector.broadcast %neg3A_78 : f32 to vector<1x2048xf32>
    %neg3A_80 = arith.subf %neg3A_79, %abs3A_77 : vector<1x2048xf32>
    %exp3A_81 = math.exp %neg3A_80 : vector<1x2048xf32>
    %log1p3A_82 = math.log1p %exp3A_81 : vector<1x2048xf32>
    %sub3A_83 = arith.subf %min3A_76, %log1p3A_82 : vector<1x2048xf32>
    %reduce_sum3A_84 = vector.shape_cast %sub3A_83 : vector<1x2048xf32> to vector<1x1x2048xf32>
    %reduce_sum3A_85 = arith.constant dense<0.000000e+00> : vector<1xf32>
    %reduce_sum3A_86 = vector.multi_reduction <add>, %reduce_sum3A_84, %reduce_sum3A_85 [1, 2] : vector<1x1x2048xf32> to vector<1xf32>
    %reduce_sum3A_87 = vector.shape_cast %reduce_sum3A_86 : vector<1xf32> to vector<1x1x1xf32>
    %reduce_sum3A_88 = vector.extract %reduce_sum3A_87[0, 0, 0] : f32 from vector<1x1x1xf32>
    %add3A_89 = arith.addf %add3A_48, %reduce_sum3A_88 : f32
    %shift_right_arithmetic3A_90 = arith.constant 12 : i32
    %shift_right_arithmetic3A_91 = vector.broadcast %shift_right_arithmetic3A_90 : i32 to vector<1x2048xi32>
    %shift_right_arithmetic3A_92 = arith.shrsi %get3A_14, %shift_right_arithmetic3A_91 : vector<1x2048xi32>
    %and3A_93 = arith.constant 63 : i32
    %and3A_94 = vector.broadcast %and3A_93 : i32 to vector<1x2048xi32>
    %and3A_95 = arith.andi %shift_right_arithmetic3A_92, %and3A_94 : vector<1x2048xi32>
    %shift_right_arithmetic3A_96 = arith.constant 12 : i32
    %shift_right_arithmetic3A_97 = vector.broadcast %shift_right_arithmetic3A_96 : i32 to vector<1x2048xi32>
    %shift_right_arithmetic3A_98 = arith.shrsi %get3A_19, %shift_right_arithmetic3A_97 : vector<1x2048xi32>
    %and3A_99 = arith.constant 63 : i32
    %and3A_100 = vector.broadcast %and3A_99 : i32 to vector<1x2048xi32>
    %and3A_101 = arith.andi %shift_right_arithmetic3A_98, %and3A_100 : vector<1x2048xi32>
    %eq3A_102 = arith.cmpi eq, %and3A_95, %get3A_9 : vector<1x2048xi32>
    %select_n3A_103 = arith.select %eq3A_102, %and3A_101, %and3A_95 : vector<1x2048xi1>, vector<1x2048xi32>
    %eq3A_104 = vector.broadcast %select_n3A_103 : vector<1x2048xi32> to vector<64x2048xi32>
    %eq3A_105 = arith.cmpi eq, %iota3A, %eq3A_104 : vector<64x2048xi32>
    %jit3A_106 = arith.constant 0.000000e+00 : f32
    %broadcast_in_dim3A_107 = vector.broadcast %jit3A_106 : f32 to vector<64x2048xf32>
    %select_n3A_108 = arith.select %eq3A_105, %dot_general3A_20, %broadcast_in_dim3A_107 : vector<64x2048xi1>, vector<64x2048xf32>
    %reduce_sum3A_109 = arith.constant dense<0.000000e+00> : vector<2048xf32>
    %reduce_sum3A_110 = vector.multi_reduction <add>, %select_n3A_108, %reduce_sum3A_109 [0] : vector<64x2048xf32> to vector<2048xf32>
    %broadcast_in_dim3A_111 = vector.shape_cast %reduce_sum3A_110 : vector<2048xf32> to vector<1x2048xf32>
    %neg3A_112 = arith.constant 0.000000e+00 : f32
    %neg3A_113 = vector.broadcast %neg3A_112 : f32 to vector<1x2048xf32>
    %neg3A_114 = arith.subf %neg3A_113, %broadcast_in_dim3A_111 : vector<1x2048xf32>
    %min3A_115 = arith.constant 0.000000e+00 : f32
    %min3A_116 = vector.broadcast %min3A_115 : f32 to vector<1x2048xf32>
    %min3A_117 = arith.minimumf %neg3A_114, %min3A_116 : vector<1x2048xf32>
    %abs3A_118 = math.absf %neg3A_114 : vector<1x2048xf32>
    %neg3A_119 = arith.constant 0.000000e+00 : f32
    %neg3A_120 = vector.broadcast %neg3A_119 : f32 to vector<1x2048xf32>
    %neg3A_121 = arith.subf %neg3A_120, %abs3A_118 : vector<1x2048xf32>
    %exp3A_122 = math.exp %neg3A_121 : vector<1x2048xf32>
    %log1p3A_123 = math.log1p %exp3A_122 : vector<1x2048xf32>
    %sub3A_124 = arith.subf %min3A_117, %log1p3A_123 : vector<1x2048xf32>
    %reduce_sum3A_125 = vector.shape_cast %sub3A_124 : vector<1x2048xf32> to vector<1x1x2048xf32>
    %reduce_sum3A_126 = arith.constant dense<0.000000e+00> : vector<1xf32>
    %reduce_sum3A_127 = vector.multi_reduction <add>, %reduce_sum3A_125, %reduce_sum3A_126 [1, 2] : vector<1x1x2048xf32> to vector<1xf32>
    %reduce_sum3A_128 = vector.shape_cast %reduce_sum3A_127 : vector<1xf32> to vector<1x1x1xf32>
    %reduce_sum3A_129 = vector.extract %reduce_sum3A_128[0, 0, 0] : f32 from vector<1x1x1xf32>
    %add3A_130 = arith.addf %add3A_89, %reduce_sum3A_129 : f32
    %shift_right_arithmetic3A_131 = arith.constant 18 : i32
    %shift_right_arithmetic3A_132 = vector.broadcast %shift_right_arithmetic3A_131 : i32 to vector<1x2048xi32>
    %shift_right_arithmetic3A_133 = arith.shrsi %get3A_14, %shift_right_arithmetic3A_132 : vector<1x2048xi32>
    %and3A_134 = arith.constant 63 : i32
    %and3A_135 = vector.broadcast %and3A_134 : i32 to vector<1x2048xi32>
    %and3A_136 = arith.andi %shift_right_arithmetic3A_133, %and3A_135 : vector<1x2048xi32>
    %shift_right_arithmetic3A_137 = arith.constant 18 : i32
    %shift_right_arithmetic3A_138 = vector.broadcast %shift_right_arithmetic3A_137 : i32 to vector<1x2048xi32>
    %shift_right_arithmetic3A_139 = arith.shrsi %get3A_19, %shift_right_arithmetic3A_138 : vector<1x2048xi32>
    %and3A_140 = arith.constant 63 : i32
    %and3A_141 = vector.broadcast %and3A_140 : i32 to vector<1x2048xi32>
    %and3A_142 = arith.andi %shift_right_arithmetic3A_139, %and3A_141 : vector<1x2048xi32>
    %eq3A_143 = arith.cmpi eq, %and3A_136, %get3A_9 : vector<1x2048xi32>
    %select_n3A_144 = arith.select %eq3A_143, %and3A_142, %and3A_136 : vector<1x2048xi1>, vector<1x2048xi32>
    %eq3A_145 = vector.broadcast %select_n3A_144 : vector<1x2048xi32> to vector<64x2048xi32>
    %eq3A_146 = arith.cmpi eq, %iota3A, %eq3A_145 : vector<64x2048xi32>
    %jit3A_147 = arith.constant 0.000000e+00 : f32
    %broadcast_in_dim3A_148 = vector.broadcast %jit3A_147 : f32 to vector<64x2048xf32>
    %select_n3A_149 = arith.select %eq3A_146, %dot_general3A_20, %broadcast_in_dim3A_148 : vector<64x2048xi1>, vector<64x2048xf32>
    %reduce_sum3A_150 = arith.constant dense<0.000000e+00> : vector<2048xf32>
    %reduce_sum3A_151 = vector.multi_reduction <add>, %select_n3A_149, %reduce_sum3A_150 [0] : vector<64x2048xf32> to vector<2048xf32>
    %broadcast_in_dim3A_152 = vector.shape_cast %reduce_sum3A_151 : vector<2048xf32> to vector<1x2048xf32>
    %neg3A_153 = arith.constant 0.000000e+00 : f32
    %neg3A_154 = vector.broadcast %neg3A_153 : f32 to vector<1x2048xf32>
    %neg3A_155 = arith.subf %neg3A_154, %broadcast_in_dim3A_152 : vector<1x2048xf32>
    %min3A_156 = arith.constant 0.000000e+00 : f32
    %min3A_157 = vector.broadcast %min3A_156 : f32 to vector<1x2048xf32>
    %min3A_158 = arith.minimumf %neg3A_155, %min3A_157 : vector<1x2048xf32>
    %abs3A_159 = math.absf %neg3A_155 : vector<1x2048xf32>
    %neg3A_160 = arith.constant 0.000000e+00 : f32
    %neg3A_161 = vector.broadcast %neg3A_160 : f32 to vector<1x2048xf32>
    %neg3A_162 = arith.subf %neg3A_161, %abs3A_159 : vector<1x2048xf32>
    %exp3A_163 = math.exp %neg3A_162 : vector<1x2048xf32>
    %log1p3A_164 = math.log1p %exp3A_163 : vector<1x2048xf32>
    %sub3A_165 = arith.subf %min3A_158, %log1p3A_164 : vector<1x2048xf32>
    %reduce_sum3A_166 = vector.shape_cast %sub3A_165 : vector<1x2048xf32> to vector<1x1x2048xf32>
    %reduce_sum3A_167 = arith.constant dense<0.000000e+00> : vector<1xf32>
    %reduce_sum3A_168 = vector.multi_reduction <add>, %reduce_sum3A_166, %reduce_sum3A_167 [1, 2] : vector<1x1x2048xf32> to vector<1xf32>
    %reduce_sum3A_169 = vector.shape_cast %reduce_sum3A_168 : vector<1xf32> to vector<1x1x1xf32>
    %reduce_sum3A_170 = vector.extract %reduce_sum3A_169[0, 0, 0] : f32 from vector<1x1x1xf32>
    %add3A_171 = arith.addf %add3A_130, %reduce_sum3A_170 : f32
    %shift_right_arithmetic3A_172 = arith.constant 24 : i32
    %shift_right_arithmetic3A_173 = vector.broadcast %shift_right_arithmetic3A_172 : i32 to vector<1x2048xi32>
    %shift_right_arithmetic3A_174 = arith.shrsi %get3A_14, %shift_right_arithmetic3A_173 : vector<1x2048xi32>
    %and3A_175 = arith.constant 63 : i32
    %and3A_176 = vector.broadcast %and3A_175 : i32 to vector<1x2048xi32>
    %and3A_177 = arith.andi %shift_right_arithmetic3A_174, %and3A_176 : vector<1x2048xi32>
    %shift_right_arithmetic3A_178 = arith.constant 24 : i32
    %shift_right_arithmetic3A_179 = vector.broadcast %shift_right_arithmetic3A_178 : i32 to vector<1x2048xi32>
    %shift_right_arithmetic3A_180 = arith.shrsi %get3A_19, %shift_right_arithmetic3A_179 : vector<1x2048xi32>
    %and3A_181 = arith.constant 63 : i32
    %and3A_182 = vector.broadcast %and3A_181 : i32 to vector<1x2048xi32>
    %and3A_183 = arith.andi %shift_right_arithmetic3A_180, %and3A_182 : vector<1x2048xi32>
    %eq3A_184 = arith.cmpi eq, %and3A_177, %get3A_9 : vector<1x2048xi32>
    %select_n3A_185 = arith.select %eq3A_184, %and3A_183, %and3A_177 : vector<1x2048xi1>, vector<1x2048xi32>
    %eq3A_186 = vector.broadcast %select_n3A_185 : vector<1x2048xi32> to vector<64x2048xi32>
    %eq3A_187 = arith.cmpi eq, %iota3A, %eq3A_186 : vector<64x2048xi32>
    %jit3A_188 = arith.constant 0.000000e+00 : f32
    %broadcast_in_dim3A_189 = vector.broadcast %jit3A_188 : f32 to vector<64x2048xf32>
    %select_n3A_190 = arith.select %eq3A_187, %dot_general3A_20, %broadcast_in_dim3A_189 : vector<64x2048xi1>, vector<64x2048xf32>
    %reduce_sum3A_191 = arith.constant dense<0.000000e+00> : vector<2048xf32>
    %reduce_sum3A_192 = vector.multi_reduction <add>, %select_n3A_190, %reduce_sum3A_191 [0] : vector<64x2048xf32> to vector<2048xf32>
    %broadcast_in_dim3A_193 = vector.shape_cast %reduce_sum3A_192 : vector<2048xf32> to vector<1x2048xf32>
    %neg3A_194 = arith.constant 0.000000e+00 : f32
    %neg3A_195 = vector.broadcast %neg3A_194 : f32 to vector<1x2048xf32>
    %neg3A_196 = arith.subf %neg3A_195, %broadcast_in_dim3A_193 : vector<1x2048xf32>
    %min3A_197 = arith.constant 0.000000e+00 : f32
    %min3A_198 = vector.broadcast %min3A_197 : f32 to vector<1x2048xf32>
    %min3A_199 = arith.minimumf %neg3A_196, %min3A_198 : vector<1x2048xf32>
    %abs3A_200 = math.absf %neg3A_196 : vector<1x2048xf32>
    %neg3A_201 = arith.constant 0.000000e+00 : f32
    %neg3A_202 = vector.broadcast %neg3A_201 : f32 to vector<1x2048xf32>
    %neg3A_203 = arith.subf %neg3A_202, %abs3A_200 : vector<1x2048xf32>
    %exp3A_204 = math.exp %neg3A_203 : vector<1x2048xf32>
    %log1p3A_205 = math.log1p %exp3A_204 : vector<1x2048xf32>
    %sub3A_206 = arith.subf %min3A_199, %log1p3A_205 : vector<1x2048xf32>
    %reduce_sum3A_207 = vector.shape_cast %sub3A_206 : vector<1x2048xf32> to vector<1x1x2048xf32>
    %reduce_sum3A_208 = arith.constant dense<0.000000e+00> : vector<1xf32>
    %reduce_sum3A_209 = vector.multi_reduction <add>, %reduce_sum3A_207, %reduce_sum3A_208 [1, 2] : vector<1x1x2048xf32> to vector<1xf32>
    %reduce_sum3A_210 = vector.shape_cast %reduce_sum3A_209 : vector<1xf32> to vector<1x1x1xf32>
    %reduce_sum3A_211 = vector.extract %reduce_sum3A_210[0, 0, 0] : f32 from vector<1x1x1xf32>
    %add3A_212 = arith.addf %add3A_171, %reduce_sum3A_211 : f32
    %eq3A_213 = arith.constant 0 : i32
    %eq3A_214 = arith.cmpi eq, %arg0, %eq3A_213 : i32
    %convert_element_type3A = arith.extui %eq3A_214 : i1 to i32
    %cond3A = arith.constant 0 : i32
    %cond3A_215 = arith.cmpi ne, %convert_element_type3A, %cond3A : i32
    scf.if %cond3A_215 {
      %broadcast_in_dim3A_223 = arith.constant 0.000000e+00 : f32
      %broadcast_in_dim3A_224 = vector.broadcast %broadcast_in_dim3A_223 : f32 to vector<1x1xf32>
      %swap3A_225 = arith.constant 0 : index
      %swap3A_226 = arith.constant 0 : index
      %swap3A_227 = vector.load %arg6[%swap3A_225, %swap3A_226] : memref<1x1xf32, #tpu.memory_space<vmem>>, vector<1x1xf32>
      tpu.vector_store %arg6[%swap3A_225, %swap3A_226], %broadcast_in_dim3A_224 {strides = array<i32>} : memref<1x1xf32, #tpu.memory_space<vmem>>, vector<1x1xf32>,
    } else {
    }
    %get3A_216 = arith.constant 0 : index
    %get3A_217 = arith.constant 0 : index
    %get3A_218 = vector.load %arg6[%get3A_216, %get3A_217] : memref<1x1xf32, #tpu.memory_space<vmem>>, vector<1x1xf32>
    %broadcast_in_dim3A_219 = vector.broadcast %add3A_212 : f32 to vector<1x1xf32>
    %add3A_220 = arith.addf %get3A_218, %broadcast_in_dim3A_219 : vector<1x1xf32>
    %swap3A = arith.constant 0 : index
    %swap3A_221 = arith.constant 0 : index
    %swap3A_222 = vector.load %arg6[%swap3A, %swap3A_221] : memref<1x1xf32, #tpu.memory_space<vmem>>, vector<1x1xf32>
    tpu.vector_store %arg6[%swap3A, %swap3A_221], %add3A_220 {strides = array<i32>} : memref<1x1xf32, #tpu.memory_space<vmem>>, vector<1x1xf32>,
    return
  }
  func.func @transform_0(%arg0: i32) -> (i32, i32) {
    %c0_i32 = arith.constant 0 : i32
    %c0_i32_0 = arith.constant 0 : i32
    return %c0_i32, %arg0 : i32, i32
  }
  func.func @transform_1(%arg0: i32) -> (i32, i32) {
    %c0_i32 = arith.constant 0 : i32
    %c0_i32_0 = arith.constant 0 : i32
    %c0_i32_1 = arith.constant 0 : i32
    return %c0_i32, %c0_i32_0 : i32, i32
  }
  func.func @transform_2(%arg0: i32) -> (i32, i32, i32) {
    %c0_i32 = arith.constant 0 : i32
    %c0_i32_0 = arith.constant 0 : i32
    %c0_i32_1 = arith.constant 0 : i32
    return %arg0, %c0_i32, %c0_i32_0 : i32, i32, i32
  }
  func.func @transform_3(%arg0: i32) -> (i32, i32, i32) {
    %c0_i32 = arith.constant 0 : i32
    %c0_i32_0 = arith.constant 0 : i32
    %c0_i32_1 = arith.constant 0 : i32
    return %arg0, %c0_i32, %c0_i32_0 : i32, i32, i32
  }
  func.func @transform_4(%arg0: i32) -> (i32, i32, i32) {
    %c0_i32 = arith.constant 0 : i32
    %c0_i32_0 = arith.constant 0 : i32
    %c0_i32_1 = arith.constant 0 : i32
    return %arg0, %c0_i32, %c0_i32_0 : i32, i32, i32
  }
  func.func @transform_5(%arg0: i32) -> (i32, i32) {
    %c0_i32 = arith.constant 0 : i32
    %c0_i32_0 = arith.constant 0 : i32
    %c0_i32_1 = arith.constant 0 : i32
    return %c0_i32, %c0_i32_0 : i32, i32
  }
}

</mosaic_0001>

<sc_bundles>
// kernel: kernel.5.cloned.1.call-start
scs
__scs_entry_jumppad:
0x0: {  	(pc) =	sbr.rel $0x88, $3  }
0x1: {  	(tag) =	ssettag $0x0;
	lr =	simm.s32 $0x1  }
0x2: {  	[smem:$0x3F9E] =	sst lr;
	_ =	strace $0xD0000000  }
0x3: {  	_ = 	snop  }
0x4: {  	_ = 	snop  }
0x5: {  	_ = 	snop  }
0x6: {  	_ = 	snop  }
0x7: {  	_ = 	snop  }
__scs_overlays_trampoline_lowered:
0x8: {  	[smem:$0x3FAD] =	sst s0  }
0x9: {  	[smem:$0x3FAE] =	sst s1  }
0xa: {  	[smem:$0x3FAF] =	sst s2  }
0xb: {  	[smem:$0x3FB0] =	sst s3  }
0xc: {  	[smem:$0x3FB1] =	sst s4  }
0xd: {  	[smem:$0x3FB2] =	sst s5  }
0xe: {  	[smem:$0x3FB3] =	sst s6  }
0xf: {  	[smem:$0x3FB4] =	sst s7  }
0x10: {  	[smem:$0x3FB5] =	sst s8  }
0x11: {  	[smem:$0x3FB6] =	sst s9;
	s0 =	simm.s32 @!p0 $0x0  }
0x12: {  	s1 =	sld [smem:$0x3F9C];
	s0 =	simm.s32 @p0 $0x1  }
0x13: {  	[smem:$0x3FB7] =	sst s0;
	s0 =	simm.s32 @!p1 $0x0  }
0x14: {  	s2 =	sld [smem:$0x3F9B];
	s0 =	simm.s32 @p1 $0x1  }
0x15: {  	[smem:$0x3FB8] =	sst s0;
	s0 =	simm.s32 @!p2 $0x0  }
0x16: {  	s3 =	sld [smem:$0x3FDB];
	s0 =	simm.s32 @p2 $0x1  }
0x17: {  	s4 =	simm.s32 $0x1BF5;
	[smem:$0x3FBA] =	sst s0  }
0x18: {  	s0 =	sld [smem:$0x3F9D];
	_ =	swait.ge [sflag:s4], $0x0  }
0x19: {  	s7 =	sld [smem:$0x3F9E]  }
0x1a: {  	s8 =	sadd.s32 $0xFFFFE003, lr  }
0x1b: {  	s9 =	sadd.s32 $0xFFFFFEF7, lr;
	s5 =	simm.s32 $0xFFFFFFFF;
	p2 =	slt.u32 s8, $0xFFFFF086  }
0x1c: {  	p1 =	slt.u32 s9, $0xF7A;
	s5 =	simm.s32 @!p2 $0x0  }
0x1d: {  	s5 =	simm.s32 @p1 $0x1;
	p0 =	seq.s32 s7, s2  }
0x1e: {  	s7 =	smul.u32 @!p0 $0xF7A, s2;
	p2 =	seq.s32 @!p0 s5, $0x0  }
0x1f: {  	s9 =	smul.u32 $0xF7A, s1;
	s8 =	simm.s32 @!p0 $0x1BF5;
	p2 =	por !p2, p0  }
0x20: {  	[sflag:s8] =	ssyncset.s32 @!p0 $0xFFFFF086;
	s6 =	sadd.s32 @!p0 s3, s7;
	s7 =	simm.s32 @!p0 $0x108  }
0x21: {  	s3 =	sadd.s32 s3, s9;
	s6 =	sadd.s32 @!p0 $0x88, s6;
	s7 =	simm.s32 @p2 $0x1082  }
0x22: {  	[simem:s7], [sflag:s8] =	dma.local @!p0 [hbm:s6], $0xF7A  }
0x23: {  	s9 =	sor.u32 $0xD0000000, s2;
	s6 =	simm.s32 $0x108;
	_ =	swait.ge @!p0 [sflag:s8], $0x0  }
0x24: {  	s3 =	sadd.s32 $0x88, s3;
	s6 =	simm.s32 @!p1 $0x1082;
	[sflag:s4] =	ssyncset.s32 $0xFFFFF086  }
0x25: {  	[simem:s6], [sflag:s4] =	dma.local [hbm:s3], $0xF7A  }
0x26: {  	[smem:$0x3F9E] =	sst s1;
	(tag) =	ssettag s2;
	_ =	strace s9  }
0x27: {  	s1 =	sld [smem:$0x3FAE]  }
0x28: {  	s2 =	sld [smem:$0x3FAF]  }
0x29: {  	s4 =	sld [smem:$0x3FB1]  }
0x2a: {  	p0 =	seq.s32 s5, $0x0;
	s5 =	sld [smem:$0x3FB2]  }
0x2b: {  	s6 =	sld [smem:$0x3FB3]  }
0x2c: {  	s7 =	sld [smem:$0x3FB4]  }
0x2d: {  	s3 =	simm.s32 $0x108;
	s8 =	sld [smem:$0x3FB5]  }
0x2e: {  	s3 =	simm.s32 @!p0 $0x1082;
	s9 =	sld [smem:$0x3FB6]  }
0x2f: {  	lr =	sadd.s32 s0, s3;
	s0 =	sld [smem:$0x3FAD]  }
0x30: {  	s3 =	sld [smem:$0x3FB0]  }
0x31: {  	[smem:$0x3FB9] =	sst s10  }
0x32: {  	s10 =	sld [smem:$0x3FB7];
	_ =	sdelay $0x3  }
0x33: {  	p0 =	seq.s32 s10, $0x1;
	s10 =	sld [smem:$0x3FB9];
	_ =	sdelay $0x3  }
0x34: {  	[smem:$0x3FB9] =	sst s10  }
0x35: {  	s10 =	sld [smem:$0x3FB8];
	_ =	sdelay $0x3  }
0x36: {  	p1 =	seq.s32 s10, $0x1;
	s10 =	sld [smem:$0x3FB9];
	_ =	sdelay $0x3  }
0x37: {  	[smem:$0x3FB9] =	sst s10  }
0x38: {  	s10 =	sld [smem:$0x3FBA]  }
0x39: {  	_ = 	snop;
	(pc) =	sbr.ind lr, $3  }
0x3a: {  	_ = 	snop  }
0x3b: {  	_ = 	snop  }
0x3c: {  	p2 =	seq.s32 s10, $0x1;
	s10 =	sld [smem:$0x3FB9]  }
0x3d: {  	_ =	shalt  }
0x3e: {  	_ =	shalt  }
0x3f: {  	_ =	shalt  }
0x40: {  	_ =	shalt  }
0x41: {  	_ =	shalt  }
0x42: {  	_ =	shalt  }
0x43: {  	_ =	shalt  }
0x44: {  	_ =	shalt  }
0x45: {  	_ =	shalt  }
0x46: {  	_ =	shalt  }
0x47: {  	_ =	shalt  }
0x48: {  	_ =	shalt  }
0x49: {  	_ =	shalt  }
0x4a: {  	_ =	shalt  }
0x4b: {  	_ =	shalt  }
0x4c: {  	_ =	shalt  }
0x4d: {  	_ =	shalt  }
0x4e: {  	_ =	shalt  }
0x4f: {  	_ =	shalt  }
0x50: {  	_ =	shalt  }
0x51: {  	_ =	shalt  }
0x52: {  	_ =	shalt  }
0x53: {  	_ =	shalt  }
0x54: {  	_ =	shalt  }
0x55: {  	_ =	shalt  }
0x56: {  	_ =	shalt  }
0x57: {  	_ =	shalt  }
0x58: {  	_ =	shalt  }
0x59: {  	_ =	shalt  }
0x5a: {  	_ =	shalt  }
0x5b: {  	_ =	shalt  }
0x5c: {  	_ =	shalt  }
0x5d: {  	_ =	shalt  }
0x5e: {  	_ =	shalt  }
0x5f: {  	_ =	shalt  }
0x60: {  	_ =	shalt  }
0x61: {  	_ =	shalt  }
0x62: {  	_ =	shalt  }
0x63: {  	_ =	shalt  }
0x64: {  	_ =	shalt  }
0x65: {  	_ =	shalt  }
0x66: {  	_ =	shalt  }
0x67: {  	_ =	shalt  }
0x68: {  	_ =	shalt  }
0x69: {  	_ =	shalt  }
0x6a: {  	_ =	shalt  }
0x6b: {  	_ =	shalt  }
0x6c: {  	_ =	shalt  }
0x6d: {  	_ =	shalt  }
0x6e: {  	_ =	shalt  }
0x6f: {  	_ =	shalt  }
0x70: {  	_ =	shalt  }
0x71: {  	_ =	shalt  }
0x72: {  	_ =	shalt  }
0x73: {  	_ =	shalt  }
0x74: {  	_ =	shalt  }
0x75: {  	_ =	shalt  }
0x76: {  	_ =	shalt  }
0x77: {  	_ =	shalt  }
0x78: {  	_ =	shalt  }
0x79: {  	_ =	shalt  }
0x7a: {  	_ =	shalt  }
0x7b: {  	_ =	shalt  }
0x7c: {  	_ =	shalt  }
0x7d: {  	_ =	shalt  }
0x7e: {  	_ =	shalt  }
0x7f: {  	_ =	shalt  }
0x80: {  	_ =	shalt  }
0x81: {  	_ =	shalt  }
0x82: {  	_ =	shalt  }
0x83: {  	_ =	shalt  }
0x84: {  	_ =	shalt  }
0x85: {  	_ =	shalt  }
0x86: {  	_ =	shalt  }
0x87: {  	_ =	shalt  }
.Lfunc_end0:
.L_simem_size_0:
called_computation_lowered:
.L_overlay_start_0:
0x88: {  	s2 =	sld [smem:$0x3FD9]  }
0x89: {  	s3 =	sld [smem:$0x3FFE];
	_ =	sdelay $0x1  }
0x8a: {  	s1 =	srdreg.scid  }
0x8b: {  	s0 =	sand.u32 $0x1, s1  }
0x8c: {  	s17 =	sshll.u32 s0, $0xA;
	s2 =	sadd.s32 s3, s2  }
0x8d: {  	s2 =	sadd.s32 s2, s17  }
0x8e: {  	[smem:$0x3FC5] =	sst s2  }
0x8f: {  	_ = 	snop  }
0x90: {  	s2 =	sld [smem:$0x3FC8]  }
0x91: {  	s18 =	sld [smem:$0x3FC7];
	(tm) =	ssettm $0x1  }
0x92: {  	s4 =	sld [smem:$0x3FFB];
	_ =	sdelay $0x3  }
0x93: {  	_ =	strace s4  }
0x94: {  	s4 =	sld [smem:$0x3FFC];
	_ =	sdelay $0x3  }
0x95: {  	_ =	strace s4  }
0x96: {  	s4 =	sld [smem:$0x3FFD];
	_ =	sdelay $0x3  }
0x97: {  	_ =	strace s4  }
0x98: {  	_ =	strace $0x8FFFFFFF  }
0x99: {  	s19 =	sld [smem:$0x3FDB];
	_ =	sdelay $0x1  }
0x9a: {  	s5 =	simm.s32 $_scs_section_size  }
0x9b: {  	s6 =	simm.s32 $_size__tile_overlayer_lowered;
	s7 =	simm.s32 $_tile_overlayer_lowered  }
0x9c: {  	s22 =	simm.s32 $0x1BFF;
	s21 =	sshll.u32 s7, $0x1;
	s4 =	sadd.s32 s5, s19  }
0x9d: {  	s8 =	simm.s32 $0x0;
	s20 =	sshll.u32 s6, $0x1;
	s6 =	sadd.s32 s21, s4  }
0x9e: {  	[timem:s8], [sflag:s22] =	dma.local [hbm:s6], s20  }
0x9f: {  	_ =	swait.ge [sflag:s22], s20  }
0xa0: {  	s5 =	ssub.s32 $0x0, s20;
	[sflag:s22] =	ssyncset.done $0x0  }
0xa1: {  	[sflag:s22] =	ssyncadd.s32 s5;
	_ =	sdelay $0x1  }
0xa2: {  	s23 =	simm.s32 $0x1B8B  }
0xa3: {  	_ =	swait.ge [sflag:s23], $0x1  }
0xa4: {  	[sflag:s23] =	ssyncset.done $0x0  }
0xa5: {  	s25 =	simm.s32 $0x1B8E;
	s24 =	sld [smem:$0x3FFE];
	[sflag:s23] =	ssyncadd.s32 $0xFFFFFFFF  }
0xa6: {  	s26 =	simm.s32 $execute0_lowered;
	[smem:$0x3FD2] =	sst s25  }
0xa7: {  	s6 =	sshll.u32 s26, $0x1;
	_ =	strace $0x80000046;
	[dreg:$0x1] =	wrdreg $0xFFFFFFFF  }
0xa8: {  	s28 =	simm.s32 $_size_execute0_lowered;
	s4 =	sadd.s32 s4, s6;
	[dreg:$0x0] =	wrdreg $0x0  }
0xa9: {  	s6 =	sshll.u32 s28, $0x1;
	[dreg:$0x2] =	wrdreg s4  }
0xaa: {  	[dreg:$0x3] =	wrdreg s6  }
0xab: {  	[dreg:$0x4] =	wrdreg $0xC0  }
0xac: {  	_ =	task [dreg:s8], $0x5FFFF  }
0xad: {  	[dreg:$0x1] =	wrdreg $0xFFFFFFFF  }
0xae: {  	[dreg:$0x0] =	wrdreg $0x60  }
0xaf: {  	[dreg:$0x2] =	wrdreg s18  }
0xb0: {  	[dreg:$0x3] =	wrdreg s2  }
0xb1: {  	[dreg:$0x4] =	wrdreg s24  }
0xb2: {  	[dreg:$0x5] =	wrdreg $0x9  }
0xb3: {  	_ =	task.clear_ibuf [dreg:s8], $0x6FFFF;
	_ =	strace $0x90000046  }
0xb4: {  	s29 =	simm.s32 $0x9;
	_ =	strace $0x80000048  }
0xb5: {  	_ =	swait.ge [sflag:s29], $0x1  }
0xb6: {  	[sflag:s29] =	ssyncadd.s32 $0xFFFFFFFF  }
0xb7: {  	_ =	strace $0x90000048  }
0xb8: {  	_ =	sfence  }
0xb9: {  	s30 =	sld [smem:$0x0];
	_ =	sdelay $0x2  }
0xba: {  	s31 =	sshll.u32 s1, $0xD;
	s1 =	sshrl.u32 s1, $0x2  }
0xbb: {  	s3 =	sand.u32 $0x4000, s31;
	s1 =	sadd.s32 s1, s30  }
0xbc: {  	s0 =	sor.u32 s3, s0;
	s1 =	sshll.u32 s1, $0x11  }
0xbd: {  	s0 =	sor.u32 s1, s0  }
0xbe: {  	s0 =	sadd.s32 $0x8F2B, s0  }
0xbf: {  	[sflag:s0] =	ssyncadd.remote.s32 $0x1  }
0xc0: {  	_ =	sfence.sel $0xFFFF  }
0xc1: {  	[dreg:$0x0] =	wrdreg $0xFFFFFFFF;
	(pc) =	sbr.abs _section_cstart, $3  }
0xc2: {  	[dreg:$0x1] =	wrdreg $0xFFFFFFFF  }
0xc3: {  	_ =	task.clear_ibuf [dreg:s8], $0x2FFFF;
	_ =	strace $0x9FFFFFFF  }
0xc4: {  	(tm) =	ssettm $0x7FFFFFFF  }
0xc5: {  	_ =	shalt  }
tec
execute0_lowered:
.L_overlay_start_1:
0x0: {  	(tag) =	ssettag $0x1  }
0x1: {  	s9 =	rddreg [dreg:$0x0]  }
0x2: {  	s1 =	rddreg [dreg:$0x1]  }
0x3: {  	s8 =	rddreg [dreg:$0x2]  }
0x4: {  	s0 =	rddreg [dreg:$0x3];
	s3 =	simm.s32 $0x0  }
0x5: {  	s4 =	srdreg.scid;
	s2 =	stileid.u32;
	s19 =	simm.s32 $0x1C700  }
0x6: {  	s20 =	simm.s32 $0x1D700;
	s21 =	simm.s32 $0x1;
	s22 =	simm.s32 $0x2  }
0x7: {  	s23 =	simm.s32 $0x0;
	[smem:$0x7FF] =	sst s3;
	s4 =	sand.u32 $0x1, s4  }
0x8: {  	s5 =	sshll.u32 s2, $0x9;
	s6 =	sshrl.u32 s2, $0x1;
	s11 =	sadd.s32 $0xE00, s8  }
0x9: {  	s16 =	sadd.s32 $0x1E00, s8;
	s17 =	sadd.s32 $0x2E00, s8;
	s18 =	sadd.s32 $0x3E00, s8  }
0xa: {  	s7 =	sshll.u32 s4, $0x8;
	s5 =	sand.u32 $0x200, s5;
	s10 =	smul.u32 $0xC3800, s6  }
0xb: {  	_ =	strace $0x80000047;
	s4 =	ssub.s32 $0x2, s4;
	s12 =	sor.u32 s7, s5  }
0xc: {  	s13 =	sshll.u32 s6, $0x11;
	s31 =	sshrl.u32 s4, $0x1;
	s5 =	sor.u32 s10, s12  }
0xd: {  	s7 =	sor.u32 s13, s12;
	s14 =	ssub.s32 s4, s31;
	s12 =	sor.u32 $0x80, s12  }
0xe: {  	s5 =	sshrl.u32 s5, $0x3;
	s15 =	sshrl.u32 s7, $0x3;
	s10 =	sor.u32 s10, s12  }
0xf: {  	s12 =	sor.u32 s13, s12;
	s14 =	smax.u32 s14, $0x1;
	s4 =	sadd.s32 s9, s5  }
0x10: {  	s5 =	sadd.s32 s11, s15;
	s6 =	sadd.s32 s15, s16;
	s7 =	sadd.s32 s15, s17  }
0x11: {  	s8 =	sadd.s32 s15, s18;
	s10 =	sshrl.u32 s10, $0x3;
	s13 =	sshrl.u32 s12, $0x3  }
0x12: {  	s15 =	simm.s32 $0x3;
	s9 =	sadd.s32 s9, s10;
	s10 =	sadd.s32 s11, s13  }
0x13: {  	s11 =	sadd.s32 s13, s16;
	s12 =	sadd.s32 s13, s17;
	s13 =	sadd.s32 s13, s18  }
0x14: {  	s16 =	simm.s32 $0x400;
	s17 =	simm.s32 $0x4000;
	s18 =	simm.s32 $0x80  }
.LBB2_1:
0x15: {  	[tilespmem:s3], [sflag:$0x3] =	stream.linear.gather [hbm4b:s1+s3], $0x4000, $0x38;
	[tilespmem:$0x1E700] =	vst v63  }
0x16: {  	_ =	swait.ge [sflag:s15], $0x4000  }
0x17: {  	[sflag:s15] =	ssyncset.done $0x0  }
0x18: {  	[sflag:s15] =	ssyncadd.s32 $0xFFFFC000  }
0x19: {  	[tilespmem:s17], [sflag:$0x3] =	stream.strided.gather [hbm4b:s4+s18], $0x18700, s16, s18, $0x38;
	[tilespmem:$0x1E700] =	vst v63  }
0x1a: {  	_ =	swait.ge [sflag:s15], $0x18700  }
0x1b: {  	[sflag:s15] =	ssyncset.done $0x0  }
0x1c: {  	[sflag:s15] =	ssyncadd.s32 $0xFFFE7900  }
0x1d: {  	v0 =	vld [tilespmem:s18+$0x70]  }
0x1e: {  	v1 =	vld [tilespmem:s18+$0xFFFFFF90]  }
0x1f: {  	v2 =	vld [tilespmem:s18+$0xFFFFFFA0]  }
0x20: {  	v3 =	vld [tilespmem:s18+$0xFFFFFFB0]  }
0x21: {  	v4 =	vld [tilespmem:s18+$0xFFFFFFC0]  }
0x22: {  	v5 =	vld [tilespmem:s18+$0xFFFFFFD0]  }
0x23: {  	v6 =	vld [tilespmem:s18+$0xFFFFFFE0]  }
0x24: {  	v7 =	vld [tilespmem:s18+$0xFFFFFFF0]  }
0x25: {  	v8 =	vld [tilespmem:s18+$0x0]  }
0x26: {  	v9 =	vld [tilespmem:s18+$0x10]  }
0x27: {  	v10 =	vld [tilespmem:s18+$0x20]  }
0x28: {  	v11 =	vld [tilespmem:s18+$0x30]  }
0x29: {  	v12 =	vld [tilespmem:s18+$0x40]  }
0x2a: {  	v13 =	vld [tilespmem:s18+$0x50]  }
0x2b: {  	v14 =	vld [tilespmem:s18+$0x60]  }
0x2c: {  	v15 =	vld [tilespmem:s18+$0xFFFFFF80]  }
0x2d: {  	v0 =	vld.idx.msk [tilespmem:v0+s17+$0x0], $0xffff  }
0x2e: {  	v1 =	vld.idx.msk [tilespmem:v1+s17+$0x0], $0xffff  }
0x2f: {  	v2 =	vld.idx.msk [tilespmem:v2+s17+$0x0], $0xffff  }
0x30: {  	v3 =	vld.idx.msk [tilespmem:v3+s17+$0x0], $0xffff  }
0x31: {  	v4 =	vld.idx.msk [tilespmem:v4+s17+$0x0], $0xffff  }
0x32: {  	s24 =	simm.s32 $0x1C780;
	v5 =	vld.idx.msk [tilespmem:v5+s17+$0x0], $0xffff  }
0x33: {  	v6 =	vld.idx.msk [tilespmem:v6+s17+$0x0], $0xffff;
	[tilespmem:s24+$0x70] =	vst v0  }
0x34: {  	v7 =	vld.idx.msk [tilespmem:v7+s17+$0x0], $0xffff;
	[tilespmem:s24+$0xFFFFFF90] =	vst v1  }
0x35: {  	v15 =	vld.idx.msk [tilespmem:v15+s17+$0x0], $0xffff;
	[tilespmem:s24+$0xFFFFFFA0] =	vst v2  }
0x36: {  	v8 =	vld.idx.msk [tilespmem:v8+s17+$0x0], $0xffff;
	[tilespmem:s24+$0xFFFFFFB0] =	vst v3  }
0x37: {  	[tilespmem:s24+$0xFFFFFFC0] =	vst v4;
	v0 =	vld.idx.msk [tilespmem:v9+s17+$0x0], $0xffff  }
0x38: {  	[tilespmem:s24+$0xFFFFFFD0] =	vst v5;
	v1 =	vld.idx.msk [tilespmem:v10+s17+$0x0], $0xffff  }
0x39: {  	[tilespmem:s24+$0xFFFFFFE0] =	vst v6;
	v2 =	vld.idx.msk [tilespmem:v11+s17+$0x0], $0xffff  }
0x3a: {  	[tilespmem:s24+$0xFFFFFFF0] =	vst v7;
	v3 =	vld.idx.msk [tilespmem:v12+s17+$0x0], $0xffff  }
0x3b: {  	[tilespmem:s24+$0xFFFFFF80] =	vst v15;
	v4 =	vld.idx.msk [tilespmem:v13+s17+$0x0], $0xffff  }
0x3c: {  	s25 =	simm.s32 $0x0;
	s26 =	simm.s32 $0x180;
	[tilespmem:s24+$0x0] =	vst v8;
	v5 =	vld.idx.msk [tilespmem:v14+s17+$0x0], $0xffff  }
.LBB2_2:
0x3d: {  	v6 =	vld [tilespmem:s26+$0x70];
	s25 =	sadd.s32 $0x100, s25;
	[tilespmem:s24+$0x10] =	vst v0  }
0x3e: {  	v0 =	vld [tilespmem:s26+$0xFFFFFF90];
	p0 =	slt.u32 s25, $0xF00;
	[tilespmem:s24+$0x20] =	vst v1  }
0x3f: {  	v1 =	vld [tilespmem:s26+$0xFFFFFFA0];
	[tilespmem:s24+$0x30] =	vst v2  }
0x40: {  	v2 =	vld [tilespmem:s26+$0xFFFFFFB0];
	[tilespmem:s24+$0x40] =	vst v3  }
0x41: {  	v3 =	vld [tilespmem:s26+$0xFFFFFFC0];
	[tilespmem:s24+$0x50] =	vst v4  }
0x42: {  	v4 =	vld [tilespmem:s26+$0xFFFFFFD0];
	[tilespmem:s24+$0x60] =	vst v5  }
0x43: {  	v5 =	vld [tilespmem:s26+$0xFFFFFFE0]  }
0x44: {  	v7 =	vld [tilespmem:s26+$0xFFFFFFF0]  }
0x45: {  	v6 =	vld.idx.msk [tilespmem:v6+s17+$0x0], $0xffff  }
0x46: {  	v8 =	vld [tilespmem:s26+$0x0]  }
0x47: {  	v9 =	vld [tilespmem:s26+$0x10]  }
0x48: {  	v10 =	vld [tilespmem:s26+$0x20]  }
0x49: {  	v11 =	vld [tilespmem:s26+$0x30]  }
0x4a: {  	s24 =	sadd.s32 $0x100, s24;
	v12 =	vld [tilespmem:s26+$0x40]  }
0x4b: {  	v13 =	vld [tilespmem:s26+$0x50];
	[tilespmem:s24+$0x70] =	vst v6  }
0x4c: {  	v6 =	vld [tilespmem:s26+$0x60]  }
0x4d: {  	v14 =	vld [tilespmem:s26+$0xFFFFFF80]  }
0x4e: {  	v0 =	vld.idx.msk [tilespmem:v0+s17+$0x0], $0xffff  }
0x4f: {  	v1 =	vld.idx.msk [tilespmem:v1+s17+$0x0], $0xffff  }
0x50: {  	v2 =	vld.idx.msk [tilespmem:v2+s17+$0x0], $0xffff  }
0x51: {  	v3 =	vld.idx.msk [tilespmem:v3+s17+$0x0], $0xffff  }
0x52: {  	v4 =	vld.idx.msk [tilespmem:v4+s17+$0x0], $0xffff  }
0x53: {  	v5 =	vld.idx.msk [tilespmem:v5+s17+$0x0], $0xffff  }
0x54: {  	[tilespmem:s24+$0xFFFFFF90] =	vst v0;
	v7 =	vld.idx.msk [tilespmem:v7+s17+$0x0], $0xffff  }
0x55: {  	v14 =	vld.idx.msk [tilespmem:v14+s17+$0x0], $0xffff;
	[tilespmem:s24+$0xFFFFFFA0] =	vst v1  }
0x56: {  	[tilespmem:s24+$0xFFFFFFB0] =	vst v2;
	v8 =	vld.idx.msk [tilespmem:v8+s17+$0x0], $0xffff  }
0x57: {  	[tilespmem:s24+$0xFFFFFFC0] =	vst v3;
	v0 =	vld.idx.msk [tilespmem:v9+s17+$0x0], $0xffff  }
.Ltmp0:
0x58: {  	[tilespmem:s24+$0xFFFFFFD0] =	vst v4;
	v1 =	vld.idx.msk [tilespmem:v10+s17+$0x0], $0xffff;
	(pc) =	sbr.rel @p0 .LBB2_2-.Ltmp0, $4  }
0x59: {  	[tilespmem:s24+$0xFFFFFFE0] =	vst v5;
	v2 =	vld.idx.msk [tilespmem:v11+s17+$0x0], $0xffff  }
0x5a: {  	[tilespmem:s24+$0xFFFFFFF0] =	vst v7;
	v3 =	vld.idx.msk [tilespmem:v12+s17+$0x0], $0xffff  }
0x5b: {  	[tilespmem:s24+$0xFFFFFF80] =	vst v14;
	v4 =	vld.idx.msk [tilespmem:v13+s17+$0x0], $0xffff  }
0x5c: {  	s26 =	sadd.s32 $0x100, s26;
	[tilespmem:s24+$0x0] =	vst v8;
	v5 =	vld.idx.msk [tilespmem:v6+s17+$0x0], $0xffff  }
0x5d: {  	[tilespmem:s24+$0x10] =	vst v0  }
0x5e: {  	[tilespmem:s24+$0x20] =	vst v1  }
0x5f: {  	[tilespmem:s24+$0x30] =	vst v2  }
0x60: {  	[tilespmem:s24+$0x40] =	vst v3  }
0x61: {  	[tilespmem:s24+$0x50] =	vst v4  }
0x62: {  	s31 =	simm.s32 $0x10F0;
	[tilespmem:s24+$0x60] =	vst v5  }
0x63: {  	[hbm4b:s5+s18] =	stream.strided.scatter [tilespmem:s19], [sflag:$0x1], $0x1000, s16, s18, $0x38;
	[tilespmem:$0x1E700] =	vst v63  }
0x64: {  	v0 =	vld [tilespmem:s31+$0x0]  }
0x65: {  	v1 =	vld [tilespmem:s31+$0xFFFFFF20]  }
0x66: {  	v2 =	vld [tilespmem:s31+$0xFFFFFF30]  }
0x67: {  	v3 =	vld [tilespmem:s31+$0xFFFFFF40]  }
0x68: {  	v4 =	vld [tilespmem:s31+$0xFFFFFF50]  }
0x69: {  	v5 =	vld [tilespmem:s31+$0xFFFFFF60]  }
0x6a: {  	v6 =	vld [tilespmem:s31+$0xFFFFFF70]  }
0x6b: {  	v7 =	vld [tilespmem:s31+$0xFFFFFF80]  }
0x6c: {  	v8 =	vld [tilespmem:s31+$0xFFFFFF90]  }
0x6d: {  	v9 =	vld [tilespmem:s31+$0xFFFFFFA0]  }
0x6e: {  	v10 =	vld [tilespmem:s31+$0xFFFFFFB0]  }
0x6f: {  	v11 =	vld [tilespmem:s31+$0xFFFFFFC0]  }
0x70: {  	v12 =	vld [tilespmem:s31+$0xFFFFFFD0]  }
0x71: {  	v13 =	vld [tilespmem:s31+$0xFFFFFFE0]  }
0x72: {  	v14 =	vld [tilespmem:s31+$0xFFFFFFF0]  }
0x73: {  	v15 =	vld [tilespmem:s31+$0xFFFFFF10]  }
0x74: {  	v0 =	vld.idx.msk [tilespmem:v0+s17+$0x0], $0xffff  }
0x75: {  	v1 =	vld.idx.msk [tilespmem:v1+s17+$0x0], $0xffff  }
0x76: {  	v2 =	vld.idx.msk [tilespmem:v2+s17+$0x0], $0xffff  }
0x77: {  	v3 =	vld.idx.msk [tilespmem:v3+s17+$0x0], $0xffff  }
0x78: {  	v4 =	vld.idx.msk [tilespmem:v4+s17+$0x0], $0xffff  }
0x79: {  	s24 =	simm.s32 $0x1D780;
	v5 =	vld.idx.msk [tilespmem:v5+s17+$0x0], $0xffff  }
0x7a: {  	v6 =	vld.idx.msk [tilespmem:v6+s17+$0x0], $0xffff;
	[tilespmem:s24+$0x70] =	vst v0  }
0x7b: {  	v7 =	vld.idx.msk [tilespmem:v7+s17+$0x0], $0xffff;
	[tilespmem:s24+$0xFFFFFF90] =	vst v1  }
0x7c: {  	v15 =	vld.idx.msk [tilespmem:v15+s17+$0x0], $0xffff;
	[tilespmem:s24+$0xFFFFFFA0] =	vst v2  }
0x7d: {  	v8 =	vld.idx.msk [tilespmem:v8+s17+$0x0], $0xffff;
	[tilespmem:s24+$0xFFFFFFB0] =	vst v3  }
0x7e: {  	[tilespmem:s24+$0xFFFFFFC0] =	vst v4;
	v0 =	vld.idx.msk [tilespmem:v9+s17+$0x0], $0xffff  }
0x7f: {  	[tilespmem:s24+$0xFFFFFFD0] =	vst v5;
	v1 =	vld.idx.msk [tilespmem:v10+s17+$0x0], $0xffff  }
0x80: {  	[tilespmem:s24+$0xFFFFFFE0] =	vst v6;
	v2 =	vld.idx.msk [tilespmem:v11+s17+$0x0], $0xffff  }
0x81: {  	[tilespmem:s24+$0xFFFFFFF0] =	vst v7;
	v3 =	vld.idx.msk [tilespmem:v12+s17+$0x0], $0xffff  }
0x82: {  	[tilespmem:s24+$0xFFFFFF80] =	vst v15;
	v4 =	vld.idx.msk [tilespmem:v13+s17+$0x0], $0xffff  }
0x83: {  	s25 =	simm.s32 $0x1000;
	s26 =	simm.s32 $0x11F0;
	[tilespmem:s24+$0x0] =	vst v8;
	v5 =	vld.idx.msk [tilespmem:v14+s17+$0x0], $0xffff  }
.LBB2_4:
0x84: {  	v6 =	vld [tilespmem:s26+$0x0];
	s25 =	sadd.s32 $0x100, s25;
	[tilespmem:s24+$0x10] =	vst v0  }
0x85: {  	v0 =	vld [tilespmem:s26+$0xFFFFFF20];
	p0 =	slt.u32 s25, $0x1F00;
	[tilespmem:s24+$0x20] =	vst v1  }
0x86: {  	v1 =	vld [tilespmem:s26+$0xFFFFFF30];
	[tilespmem:s24+$0x30] =	vst v2  }
0x87: {  	v2 =	vld [tilespmem:s26+$0xFFFFFF40];
	[tilespmem:s24+$0x40] =	vst v3  }
0x88: {  	v3 =	vld [tilespmem:s26+$0xFFFFFF50];
	[tilespmem:s24+$0x50] =	vst v4  }
0x89: {  	v4 =	vld [tilespmem:s26+$0xFFFFFF60];
	[tilespmem:s24+$0x60] =	vst v5  }
0x8a: {  	v5 =	vld [tilespmem:s26+$0xFFFFFF70]  }
0x8b: {  	v7 =	vld [tilespmem:s26+$0xFFFFFF80]  }
0x8c: {  	v6 =	vld.idx.msk [tilespmem:v6+s17+$0x0], $0xffff  }
0x8d: {  	v8 =	vld [tilespmem:s26+$0xFFFFFF90]  }
0x8e: {  	v9 =	vld [tilespmem:s26+$0xFFFFFFA0]  }
0x8f: {  	v10 =	vld [tilespmem:s26+$0xFFFFFFB0]  }
0x90: {  	v11 =	vld [tilespmem:s26+$0xFFFFFFC0]  }
0x91: {  	s24 =	sadd.s32 $0x100, s24;
	v12 =	vld [tilespmem:s26+$0xFFFFFFD0]  }
0x92: {  	v13 =	vld [tilespmem:s26+$0xFFFFFFE0];
	[tilespmem:s24+$0x70] =	vst v6  }
0x93: {  	v6 =	vld [tilespmem:s26+$0xFFFFFFF0]  }
0x94: {  	v14 =	vld [tilespmem:s26+$0xFFFFFF10]  }
0x95: {  	v0 =	vld.idx.msk [tilespmem:v0+s17+$0x0], $0xffff  }
0x96: {  	v1 =	vld.idx.msk [tilespmem:v1+s17+$0x0], $0xffff  }
0x97: {  	v2 =	vld.idx.msk [tilespmem:v2+s17+$0x0], $0xffff  }
0x98: {  	v3 =	vld.idx.msk [tilespmem:v3+s17+$0x0], $0xffff  }
0x99: {  	v4 =	vld.idx.msk [tilespmem:v4+s17+$0x0], $0xffff  }
0x9a: {  	v5 =	vld.idx.msk [tilespmem:v5+s17+$0x0], $0xffff  }
0x9b: {  	[tilespmem:s24+$0xFFFFFF90] =	vst v0;
	v7 =	vld.idx.msk [tilespmem:v7+s17+$0x0], $0xffff  }
0x9c: {  	v14 =	vld.idx.msk [tilespmem:v14+s17+$0x0], $0xffff;
	[tilespmem:s24+$0xFFFFFFA0] =	vst v1  }
0x9d: {  	[tilespmem:s24+$0xFFFFFFB0] =	vst v2;
	v8 =	vld.idx.msk [tilespmem:v8+s17+$0x0], $0xffff  }
0x9e: {  	[tilespmem:s24+$0xFFFFFFC0] =	vst v3;
	v0 =	vld.idx.msk [tilespmem:v9+s17+$0x0], $0xffff  }
.Ltmp1:
0x9f: {  	[tilespmem:s24+$0xFFFFFFD0] =	vst v4;
	v1 =	vld.idx.msk [tilespmem:v10+s17+$0x0], $0xffff;
	(pc) =	sbr.rel @p0 .LBB2_4-.Ltmp1, $4  }
0xa0: {  	[tilespmem:s24+$0xFFFFFFE0] =	vst v5;
	v2 =	vld.idx.msk [tilespmem:v11+s17+$0x0], $0xffff  }
0xa1: {  	[tilespmem:s24+$0xFFFFFFF0] =	vst v7;
	v3 =	vld.idx.msk [tilespmem:v12+s17+$0x0], $0xffff  }
0xa2: {  	[tilespmem:s24+$0xFFFFFF80] =	vst v14;
	v4 =	vld.idx.msk [tilespmem:v13+s17+$0x0], $0xffff  }
0xa3: {  	s26 =	sadd.s32 $0x100, s26;
	[tilespmem:s24+$0x0] =	vst v8;
	v5 =	vld.idx.msk [tilespmem:v6+s17+$0x0], $0xffff  }
0xa4: {  	[tilespmem:s24+$0x10] =	vst v0  }
0xa5: {  	[tilespmem:s24+$0x20] =	vst v1  }
0xa6: {  	[tilespmem:s24+$0x30] =	vst v2  }
0xa7: {  	[tilespmem:s24+$0x40] =	vst v3  }
0xa8: {  	[tilespmem:s24+$0x50] =	vst v4  }
0xa9: {  	[tilespmem:s24+$0x60] =	vst v5  }
0xaa: {  	[hbm4b:s6+s18] =	stream.strided.scatter [tilespmem:s20], [sflag:$0x2], $0x1000, s16, s18, $0x38;
	[tilespmem:$0x1E700] =	vst v63  }
0xab: {  	_ =	swait.ge [sflag:s21], $0x1000  }
0xac: {  	[sflag:s21] =	ssyncset.done $0x0  }
0xad: {  	s31 =	simm.s32 $0x20F0;
	[sflag:s21] =	ssyncadd.s32 $0xFFFFF000  }
0xae: {  	v0 =	vld [tilespmem:s31+$0x0]  }
0xaf: {  	v1 =	vld [tilespmem:s31+$0xFFFFFF20]  }
0xb0: {  	v2 =	vld [tilespmem:s31+$0xFFFFFF30]  }
0xb1: {  	v3 =	vld [tilespmem:s31+$0xFFFFFF40]  }
0xb2: {  	v4 =	vld [tilespmem:s31+$0xFFFFFF50]  }
0xb3: {  	v5 =	vld [tilespmem:s31+$0xFFFFFF60]  }
0xb4: {  	v6 =	vld [tilespmem:s31+$0xFFFFFF70]  }
0xb5: {  	v7 =	vld [tilespmem:s31+$0xFFFFFF80]  }
0xb6: {  	v8 =	vld [tilespmem:s31+$0xFFFFFF90]  }
0xb7: {  	v9 =	vld [tilespmem:s31+$0xFFFFFFA0]  }
0xb8: {  	v10 =	vld [tilespmem:s31+$0xFFFFFFB0]  }
0xb9: {  	v11 =	vld [tilespmem:s31+$0xFFFFFFC0]  }
0xba: {  	v12 =	vld [tilespmem:s31+$0xFFFFFFD0]  }
0xbb: {  	v13 =	vld [tilespmem:s31+$0xFFFFFFE0]  }
0xbc: {  	v14 =	vld [tilespmem:s31+$0xFFFFFFF0]  }
0xbd: {  	v15 =	vld [tilespmem:s31+$0xFFFFFF10]  }
0xbe: {  	v0 =	vld.idx.msk [tilespmem:v0+s17+$0x0], $0xffff  }
0xbf: {  	v1 =	vld.idx.msk [tilespmem:v1+s17+$0x0], $0xffff  }
0xc0: {  	v2 =	vld.idx.msk [tilespmem:v2+s17+$0x0], $0xffff  }
0xc1: {  	v3 =	vld.idx.msk [tilespmem:v3+s17+$0x0], $0xffff  }
0xc2: {  	v4 =	vld.idx.msk [tilespmem:v4+s17+$0x0], $0xffff  }
0xc3: {  	s24 =	simm.s32 $0x1C780;
	v5 =	vld.idx.msk [tilespmem:v5+s17+$0x0], $0xffff  }
0xc4: {  	v6 =	vld.idx.msk [tilespmem:v6+s17+$0x0], $0xffff;
	[tilespmem:s24+$0x70] =	vst v0  }
0xc5: {  	v7 =	vld.idx.msk [tilespmem:v7+s17+$0x0], $0xffff;
	[tilespmem:s24+$0xFFFFFF90] =	vst v1  }
0xc6: {  	v15 =	vld.idx.msk [tilespmem:v15+s17+$0x0], $0xffff;
	[tilespmem:s24+$0xFFFFFFA0] =	vst v2  }
0xc7: {  	v8 =	vld.idx.msk [tilespmem:v8+s17+$0x0], $0xffff;
	[tilespmem:s24+$0xFFFFFFB0] =	vst v3  }
0xc8: {  	[tilespmem:s24+$0xFFFFFFC0] =	vst v4;
	v0 =	vld.idx.msk [tilespmem:v9+s17+$0x0], $0xffff  }
0xc9: {  	[tilespmem:s24+$0xFFFFFFD0] =	vst v5;
	v1 =	vld.idx.msk [tilespmem:v10+s17+$0x0], $0xffff  }
0xca: {  	[tilespmem:s24+$0xFFFFFFE0] =	vst v6;
	v2 =	vld.idx.msk [tilespmem:v11+s17+$0x0], $0xffff  }
0xcb: {  	[tilespmem:s24+$0xFFFFFFF0] =	vst v7;
	v3 =	vld.idx.msk [tilespmem:v12+s17+$0x0], $0xffff  }
0xcc: {  	[tilespmem:s24+$0xFFFFFF80] =	vst v15;
	v4 =	vld.idx.msk [tilespmem:v13+s17+$0x0], $0xffff  }
0xcd: {  	s25 =	simm.s32 $0x2000;
	s26 =	simm.s32 $0x21F0;
	[tilespmem:s24+$0x0] =	vst v8;
	v5 =	vld.idx.msk [tilespmem:v14+s17+$0x0], $0xffff  }
.LBB2_6:
0xce: {  	v6 =	vld [tilespmem:s26+$0x0];
	s25 =	sadd.s32 $0x100, s25;
	[tilespmem:s24+$0x10] =	vst v0  }
0xcf: {  	v0 =	vld [tilespmem:s26+$0xFFFFFF20];
	p0 =	slt.u32 s25, $0x2F00;
	[tilespmem:s24+$0x20] =	vst v1  }
0xd0: {  	v1 =	vld [tilespmem:s26+$0xFFFFFF30];
	[tilespmem:s24+$0x30] =	vst v2  }
0xd1: {  	v2 =	vld [tilespmem:s26+$0xFFFFFF40];
	[tilespmem:s24+$0x40] =	vst v3  }
0xd2: {  	v3 =	vld [tilespmem:s26+$0xFFFFFF50];
	[tilespmem:s24+$0x50] =	vst v4  }
0xd3: {  	v4 =	vld [tilespmem:s26+$0xFFFFFF60];
	[tilespmem:s24+$0x60] =	vst v5  }
0xd4: {  	v5 =	vld [tilespmem:s26+$0xFFFFFF70]  }
0xd5: {  	v7 =	vld [tilespmem:s26+$0xFFFFFF80]  }
0xd6: {  	v6 =	vld.idx.msk [tilespmem:v6+s17+$0x0], $0xffff  }
0xd7: {  	v8 =	vld [tilespmem:s26+$0xFFFFFF90]  }
0xd8: {  	v9 =	vld [tilespmem:s26+$0xFFFFFFA0]  }
0xd9: {  	v10 =	vld [tilespmem:s26+$0xFFFFFFB0]  }
0xda: {  	v11 =	vld [tilespmem:s26+$0xFFFFFFC0]  }
0xdb: {  	s24 =	sadd.s32 $0x100, s24;
	v12 =	vld [tilespmem:s26+$0xFFFFFFD0]  }
0xdc: {  	v13 =	vld [tilespmem:s26+$0xFFFFFFE0];
	[tilespmem:s24+$0x70] =	vst v6  }
0xdd: {  	v6 =	vld [tilespmem:s26+$0xFFFFFFF0]  }
0xde: {  	v14 =	vld [tilespmem:s26+$0xFFFFFF10]  }
0xdf: {  	v0 =	vld.idx.msk [tilespmem:v0+s17+$0x0], $0xffff  }
0xe0: {  	v1 =	vld.idx.msk [tilespmem:v1+s17+$0x0], $0xffff  }
0xe1: {  	v2 =	vld.idx.msk [tilespmem:v2+s17+$0x0], $0xffff  }
0xe2: {  	v3 =	vld.idx.msk [tilespmem:v3+s17+$0x0], $0xffff  }
0xe3: {  	v4 =	vld.idx.msk [tilespmem:v4+s17+$0x0], $0xffff  }
0xe4: {  	v5 =	vld.idx.msk [tilespmem:v5+s17+$0x0], $0xffff  }
0xe5: {  	[tilespmem:s24+$0xFFFFFF90] =	vst v0;
	v7 =	vld.idx.msk [tilespmem:v7+s17+$0x0], $0xffff  }
0xe6: {  	v14 =	vld.idx.msk [tilespmem:v14+s17+$0x0], $0xffff;
	[tilespmem:s24+$0xFFFFFFA0] =	vst v1  }
0xe7: {  	[tilespmem:s24+$0xFFFFFFB0] =	vst v2;
	v8 =	vld.idx.msk [tilespmem:v8+s17+$0x0], $0xffff  }
0xe8: {  	[tilespmem:s24+$0xFFFFFFC0] =	vst v3;
	v0 =	vld.idx.msk [tilespmem:v9+s17+$0x0], $0xffff  }
.Ltmp2:
0xe9: {  	[tilespmem:s24+$0xFFFFFFD0] =	vst v4;
	v1 =	vld.idx.msk [tilespmem:v10+s17+$0x0], $0xffff;
	(pc) =	sbr.rel @p0 .LBB2_6-.Ltmp2, $4  }
0xea: {  	[tilespmem:s24+$0xFFFFFFE0] =	vst v5;
	v2 =	vld.idx.msk [tilespmem:v11+s17+$0x0], $0xffff  }
0xeb: {  	[tilespmem:s24+$0xFFFFFFF0] =	vst v7;
	v3 =	vld.idx.msk [tilespmem:v12+s17+$0x0], $0xffff  }
0xec: {  	[tilespmem:s24+$0xFFFFFF80] =	vst v14;
	v4 =	vld.idx.msk [tilespmem:v13+s17+$0x0], $0xffff  }
0xed: {  	s26 =	sadd.s32 $0x100, s26;
	[tilespmem:s24+$0x0] =	vst v8;
	v5 =	vld.idx.msk [tilespmem:v6+s17+$0x0], $0xffff  }
0xee: {  	[tilespmem:s24+$0x10] =	vst v0  }
0xef: {  	[tilespmem:s24+$0x20] =	vst v1  }
0xf0: {  	[tilespmem:s24+$0x30] =	vst v2  }
0xf1: {  	[tilespmem:s24+$0x40] =	vst v3  }
0xf2: {  	[tilespmem:s24+$0x50] =	vst v4  }
0xf3: {  	[tilespmem:s24+$0x60] =	vst v5  }
0xf4: {  	[hbm4b:s7+s18] =	stream.strided.scatter [tilespmem:s19], [sflag:$0x1], $0x1000, s16, s18, $0x38;
	[tilespmem:$0x1E700] =	vst v63  }
0xf5: {  	_ =	swait.ge [sflag:s22], $0x1000  }
0xf6: {  	[sflag:s22] =	ssyncset.done $0x0  }
0xf7: {  	s31 =	simm.s32 $0x30F0;
	[sflag:s22] =	ssyncadd.s32 $0xFFFFF000  }
0xf8: {  	v0 =	vld [tilespmem:s31+$0x0]  }
0xf9: {  	v1 =	vld [tilespmem:s31+$0xFFFFFF20]  }
0xfa: {  	v2 =	vld [tilespmem:s31+$0xFFFFFF30]  }
0xfb: {  	v3 =	vld [tilespmem:s31+$0xFFFFFF40]  }
0xfc: {  	v4 =	vld [tilespmem:s31+$0xFFFFFF50]  }
0xfd: {  	v5 =	vld [tilespmem:s31+$0xFFFFFF60]  }
0xfe: {  	v6 =	vld [tilespmem:s31+$0xFFFFFF70]  }
0xff: {  	v7 =	vld [tilespmem:s31+$0xFFFFFF80]  }
0x100: {  	v8 =	vld [tilespmem:s31+$0xFFFFFF90]  }
0x101: {  	v9 =	vld [tilespmem:s31+$0xFFFFFFA0]  }
0x102: {  	v10 =	vld [tilespmem:s31+$0xFFFFFFB0]  }
0x103: {  	v11 =	vld [tilespmem:s31+$0xFFFFFFC0]  }
0x104: {  	v12 =	vld [tilespmem:s31+$0xFFFFFFD0]  }
0x105: {  	v13 =	vld [tilespmem:s31+$0xFFFFFFE0]  }
0x106: {  	v14 =	vld [tilespmem:s31+$0xFFFFFFF0]  }
0x107: {  	v15 =	vld [tilespmem:s31+$0xFFFFFF10]  }
0x108: {  	v0 =	vld.idx.msk [tilespmem:v0+s17+$0x0], $0xffff  }
0x109: {  	v1 =	vld.idx.msk [tilespmem:v1+s17+$0x0], $0xffff  }
0x10a: {  	v2 =	vld.idx.msk [tilespmem:v2+s17+$0x0], $0xffff  }
0x10b: {  	v3 =	vld.idx.msk [tilespmem:v3+s17+$0x0], $0xffff  }
0x10c: {  	v4 =	vld.idx.msk [tilespmem:v4+s17+$0x0], $0xffff  }
0x10d: {  	s24 =	simm.s32 $0x1D780;
	v5 =	vld.idx.msk [tilespmem:v5+s17+$0x0], $0xffff  }
0x10e: {  	v6 =	vld.idx.msk [tilespmem:v6+s17+$0x0], $0xffff;
	[tilespmem:s24+$0x70] =	vst v0  }
0x10f: {  	v7 =	vld.idx.msk [tilespmem:v7+s17+$0x0], $0xffff;
	[tilespmem:s24+$0xFFFFFF90] =	vst v1  }
0x110: {  	v15 =	vld.idx.msk [tilespmem:v15+s17+$0x0], $0xffff;
	[tilespmem:s24+$0xFFFFFFA0] =	vst v2  }
0x111: {  	v8 =	vld.idx.msk [tilespmem:v8+s17+$0x0], $0xffff;
	[tilespmem:s24+$0xFFFFFFB0] =	vst v3  }
0x112: {  	[tilespmem:s24+$0xFFFFFFC0] =	vst v4;
	v0 =	vld.idx.msk [tilespmem:v9+s17+$0x0], $0xffff  }
0x113: {  	[tilespmem:s24+$0xFFFFFFD0] =	vst v5;
	v1 =	vld.idx.msk [tilespmem:v10+s17+$0x0], $0xffff  }
0x114: {  	[tilespmem:s24+$0xFFFFFFE0] =	vst v6;
	v2 =	vld.idx.msk [tilespmem:v11+s17+$0x0], $0xffff  }
0x115: {  	[tilespmem:s24+$0xFFFFFFF0] =	vst v7;
	v3 =	vld.idx.msk [tilespmem:v12+s17+$0x0], $0xffff  }
0x116: {  	[tilespmem:s24+$0xFFFFFF80] =	vst v15;
	v4 =	vld.idx.msk [tilespmem:v13+s17+$0x0], $0xffff  }
0x117: {  	s25 =	simm.s32 $0x3000;
	s26 =	simm.s32 $0x31F0;
	[tilespmem:s24+$0x0] =	vst v8;
	v5 =	vld.idx.msk [tilespmem:v14+s17+$0x0], $0xffff  }
.LBB2_8:
0x118: {  	v6 =	vld [tilespmem:s26+$0x0];
	s25 =	sadd.s32 $0x100, s25;
	[tilespmem:s24+$0x10] =	vst v0  }
0x119: {  	v0 =	vld [tilespmem:s26+$0xFFFFFF20];
	p0 =	slt.u32 s25, $0x3F00;
	[tilespmem:s24+$0x20] =	vst v1  }
0x11a: {  	v1 =	vld [tilespmem:s26+$0xFFFFFF30];
	[tilespmem:s24+$0x30] =	vst v2  }
0x11b: {  	v2 =	vld [tilespmem:s26+$0xFFFFFF40];
	[tilespmem:s24+$0x40] =	vst v3  }
0x11c: {  	v3 =	vld [tilespmem:s26+$0xFFFFFF50];
	[tilespmem:s24+$0x50] =	vst v4  }
0x11d: {  	v4 =	vld [tilespmem:s26+$0xFFFFFF60];
	[tilespmem:s24+$0x60] =	vst v5  }
0x11e: {  	v5 =	vld [tilespmem:s26+$0xFFFFFF70]  }
0x11f: {  	v7 =	vld [tilespmem:s26+$0xFFFFFF80]  }
0x120: {  	v6 =	vld.idx.msk [tilespmem:v6+s17+$0x0], $0xffff  }
0x121: {  	v8 =	vld [tilespmem:s26+$0xFFFFFF90]  }
0x122: {  	v9 =	vld [tilespmem:s26+$0xFFFFFFA0]  }
0x123: {  	v10 =	vld [tilespmem:s26+$0xFFFFFFB0]  }
0x124: {  	v11 =	vld [tilespmem:s26+$0xFFFFFFC0]  }
0x125: {  	s24 =	sadd.s32 $0x100, s24;
	v12 =	vld [tilespmem:s26+$0xFFFFFFD0]  }
0x126: {  	v13 =	vld [tilespmem:s26+$0xFFFFFFE0];
	[tilespmem:s24+$0x70] =	vst v6  }
0x127: {  	v6 =	vld [tilespmem:s26+$0xFFFFFFF0]  }
0x128: {  	v14 =	vld [tilespmem:s26+$0xFFFFFF10]  }
0x129: {  	v0 =	vld.idx.msk [tilespmem:v0+s17+$0x0], $0xffff  }
0x12a: {  	v1 =	vld.idx.msk [tilespmem:v1+s17+$0x0], $0xffff  }
0x12b: {  	v2 =	vld.idx.msk [tilespmem:v2+s17+$0x0], $0xffff  }
0x12c: {  	v3 =	vld.idx.msk [tilespmem:v3+s17+$0x0], $0xffff  }
0x12d: {  	v4 =	vld.idx.msk [tilespmem:v4+s17+$0x0], $0xffff  }
0x12e: {  	v5 =	vld.idx.msk [tilespmem:v5+s17+$0x0], $0xffff  }
0x12f: {  	[tilespmem:s24+$0xFFFFFF90] =	vst v0;
	v7 =	vld.idx.msk [tilespmem:v7+s17+$0x0], $0xffff  }
0x130: {  	v14 =	vld.idx.msk [tilespmem:v14+s17+$0x0], $0xffff;
	[tilespmem:s24+$0xFFFFFFA0] =	vst v1  }
0x131: {  	[tilespmem:s24+$0xFFFFFFB0] =	vst v2;
	v8 =	vld.idx.msk [tilespmem:v8+s17+$0x0], $0xffff  }
0x132: {  	[tilespmem:s24+$0xFFFFFFC0] =	vst v3;
	v0 =	vld.idx.msk [tilespmem:v9+s17+$0x0], $0xffff  }
.Ltmp3:
0x133: {  	[tilespmem:s24+$0xFFFFFFD0] =	vst v4;
	v1 =	vld.idx.msk [tilespmem:v10+s17+$0x0], $0xffff;
	(pc) =	sbr.rel @p0 .LBB2_8-.Ltmp3, $4  }
0x134: {  	[tilespmem:s24+$0xFFFFFFE0] =	vst v5;
	v2 =	vld.idx.msk [tilespmem:v11+s17+$0x0], $0xffff  }
0x135: {  	[tilespmem:s24+$0xFFFFFFF0] =	vst v7;
	v3 =	vld.idx.msk [tilespmem:v12+s17+$0x0], $0xffff  }
0x136: {  	[tilespmem:s24+$0xFFFFFF80] =	vst v14;
	v4 =	vld.idx.msk [tilespmem:v13+s17+$0x0], $0xffff  }
0x137: {  	s26 =	sadd.s32 $0x100, s26;
	[tilespmem:s24+$0x0] =	vst v8;
	v5 =	vld.idx.msk [tilespmem:v6+s17+$0x0], $0xffff  }
0x138: {  	[tilespmem:s24+$0x10] =	vst v0  }
0x139: {  	[tilespmem:s24+$0x20] =	vst v1  }
0x13a: {  	[tilespmem:s24+$0x30] =	vst v2  }
0x13b: {  	[tilespmem:s24+$0x40] =	vst v3  }
0x13c: {  	[tilespmem:s24+$0x50] =	vst v4  }
0x13d: {  	s31 =	simm.s32 $0x80;
	[tilespmem:s24+$0x60] =	vst v5  }
0x13e: {  	[hbm4b:s8+s31] =	stream.strided.scatter [tilespmem:s20], [sflag:$0x2], $0x1000, s16, s31, $0x38;
	[tilespmem:$0x1E700] =	vst v63  }
0x13f: {  	_ = 	snop  }
0x140: {  	[tilespmem:s17], [sflag:$0x3] =	stream.strided.gather [hbm4b:s9+s31], $0x18700, s16, s31, $0x38;
	[tilespmem:$0x1E700] =	vst v63  }
0x141: {  	_ =	swait.ge [sflag:s15], $0x18700  }
0x142: {  	[sflag:s15] =	ssyncset.done $0x0  }
0x143: {  	[sflag:s15] =	ssyncadd.s32 $0xFFFE7900  }
0x144: {  	_ =	swait.ge [sflag:s21], $0x1000  }
0x145: {  	[sflag:s21] =	ssyncset.done $0x0  }
0x146: {  	[sflag:s21] =	ssyncadd.s32 $0xFFFFF000  }
0x147: {  	v0 =	vld [tilespmem:s31+$0x70]  }
0x148: {  	v1 =	vld [tilespmem:s31+$0xFFFFFF90]  }
0x149: {  	v2 =	vld [tilespmem:s31+$0xFFFFFFA0]  }
0x14a: {  	v3 =	vld [tilespmem:s31+$0xFFFFFFB0]  }
0x14b: {  	v4 =	vld [tilespmem:s31+$0xFFFFFFC0]  }
0x14c: {  	v5 =	vld [tilespmem:s31+$0xFFFFFFD0]  }
0x14d: {  	v6 =	vld [tilespmem:s31+$0xFFFFFFE0]  }
0x14e: {  	v7 =	vld [tilespmem:s31+$0xFFFFFFF0]  }
0x14f: {  	v8 =	vld [tilespmem:s31+$0x0]  }
0x150: {  	v9 =	vld [tilespmem:s31+$0x10]  }
0x151: {  	v10 =	vld [tilespmem:s31+$0x20]  }
0x152: {  	v11 =	vld [tilespmem:s31+$0x30]  }
0x153: {  	v12 =	vld [tilespmem:s31+$0x40]  }
0x154: {  	v13 =	vld [tilespmem:s31+$0x50]  }
0x155: {  	v14 =	vld [tilespmem:s31+$0x60]  }
0x156: {  	v15 =	vld [tilespmem:s31+$0xFFFFFF80]  }
0x157: {  	v0 =	vld.idx.msk [tilespmem:v0+s17+$0x0], $0xffff  }
0x158: {  	v1 =	vld.idx.msk [tilespmem:v1+s17+$0x0], $0xffff  }
0x159: {  	v2 =	vld.idx.msk [tilespmem:v2+s17+$0x0], $0xffff  }
0x15a: {  	v3 =	vld.idx.msk [tilespmem:v3+s17+$0x0], $0xffff  }
0x15b: {  	v4 =	vld.idx.msk [tilespmem:v4+s17+$0x0], $0xffff  }
0x15c: {  	s24 =	simm.s32 $0x1C780;
	v5 =	vld.idx.msk [tilespmem:v5+s17+$0x0], $0xffff  }
0x15d: {  	v6 =	vld.idx.msk [tilespmem:v6+s17+$0x0], $0xffff;
	[tilespmem:s24+$0x70] =	vst v0  }
0x15e: {  	v7 =	vld.idx.msk [tilespmem:v7+s17+$0x0], $0xffff;
	[tilespmem:s24+$0xFFFFFF90] =	vst v1  }
0x15f: {  	v15 =	vld.idx.msk [tilespmem:v15+s17+$0x0], $0xffff;
	[tilespmem:s24+$0xFFFFFFA0] =	vst v2  }
0x160: {  	v8 =	vld.idx.msk [tilespmem:v8+s17+$0x0], $0xffff;
	[tilespmem:s24+$0xFFFFFFB0] =	vst v3  }
0x161: {  	[tilespmem:s24+$0xFFFFFFC0] =	vst v4;
	v0 =	vld.idx.msk [tilespmem:v9+s17+$0x0], $0xffff  }
0x162: {  	[tilespmem:s24+$0xFFFFFFD0] =	vst v5;
	v1 =	vld.idx.msk [tilespmem:v10+s17+$0x0], $0xffff  }
0x163: {  	[tilespmem:s24+$0xFFFFFFE0] =	vst v6;
	v2 =	vld.idx.msk [tilespmem:v11+s17+$0x0], $0xffff  }
0x164: {  	[tilespmem:s24+$0xFFFFFFF0] =	vst v7;
	v3 =	vld.idx.msk [tilespmem:v12+s17+$0x0], $0xffff  }
0x165: {  	[tilespmem:s24+$0xFFFFFF80] =	vst v15;
	v4 =	vld.idx.msk [tilespmem:v13+s17+$0x0], $0xffff  }
0x166: {  	s25 =	simm.s32 $0x0;
	s26 =	simm.s32 $0x180;
	[tilespmem:s24+$0x0] =	vst v8;
	v5 =	vld.idx.msk [tilespmem:v14+s17+$0x0], $0xffff  }
.LBB2_10:
0x167: {  	v6 =	vld [tilespmem:s26+$0x70];
	s25 =	sadd.s32 $0x100, s25;
	[tilespmem:s24+$0x10] =	vst v0  }
0x168: {  	v0 =	vld [tilespmem:s26+$0xFFFFFF90];
	p0 =	slt.u32 s25, $0xF00;
	[tilespmem:s24+$0x20] =	vst v1  }
0x169: {  	v1 =	vld [tilespmem:s26+$0xFFFFFFA0];
	[tilespmem:s24+$0x30] =	vst v2  }
0x16a: {  	v2 =	vld [tilespmem:s26+$0xFFFFFFB0];
	[tilespmem:s24+$0x40] =	vst v3  }
0x16b: {  	v3 =	vld [tilespmem:s26+$0xFFFFFFC0];
	[tilespmem:s24+$0x50] =	vst v4  }
0x16c: {  	v4 =	vld [tilespmem:s26+$0xFFFFFFD0];
	[tilespmem:s24+$0x60] =	vst v5  }
0x16d: {  	v5 =	vld [tilespmem:s26+$0xFFFFFFE0]  }
0x16e: {  	v7 =	vld [tilespmem:s26+$0xFFFFFFF0]  }
0x16f: {  	v6 =	vld.idx.msk [tilespmem:v6+s17+$0x0], $0xffff  }
0x170: {  	v8 =	vld [tilespmem:s26+$0x0]  }
0x171: {  	v9 =	vld [tilespmem:s26+$0x10]  }
0x172: {  	v10 =	vld [tilespmem:s26+$0x20]  }
0x173: {  	v11 =	vld [tilespmem:s26+$0x30]  }
0x174: {  	s24 =	sadd.s32 $0x100, s24;
	v12 =	vld [tilespmem:s26+$0x40]  }
0x175: {  	v13 =	vld [tilespmem:s26+$0x50];
	[tilespmem:s24+$0x70] =	vst v6  }
0x176: {  	v6 =	vld [tilespmem:s26+$0x60]  }
0x177: {  	v14 =	vld [tilespmem:s26+$0xFFFFFF80]  }
0x178: {  	v0 =	vld.idx.msk [tilespmem:v0+s17+$0x0], $0xffff  }
0x179: {  	v1 =	vld.idx.msk [tilespmem:v1+s17+$0x0], $0xffff  }
0x17a: {  	v2 =	vld.idx.msk [tilespmem:v2+s17+$0x0], $0xffff  }
0x17b: {  	v3 =	vld.idx.msk [tilespmem:v3+s17+$0x0], $0xffff  }
0x17c: {  	v4 =	vld.idx.msk [tilespmem:v4+s17+$0x0], $0xffff  }
0x17d: {  	v5 =	vld.idx.msk [tilespmem:v5+s17+$0x0], $0xffff  }
0x17e: {  	[tilespmem:s24+$0xFFFFFF90] =	vst v0;
	v7 =	vld.idx.msk [tilespmem:v7+s17+$0x0], $0xffff  }
0x17f: {  	v14 =	vld.idx.msk [tilespmem:v14+s17+$0x0], $0xffff;
	[tilespmem:s24+$0xFFFFFFA0] =	vst v1  }
0x180: {  	[tilespmem:s24+$0xFFFFFFB0] =	vst v2;
	v8 =	vld.idx.msk [tilespmem:v8+s17+$0x0], $0xffff  }
0x181: {  	[tilespmem:s24+$0xFFFFFFC0] =	vst v3;
	v0 =	vld.idx.msk [tilespmem:v9+s17+$0x0], $0xffff  }
.Ltmp4:
0x182: {  	[tilespmem:s24+$0xFFFFFFD0] =	vst v4;
	v1 =	vld.idx.msk [tilespmem:v10+s17+$0x0], $0xffff;
	(pc) =	sbr.rel @p0 .LBB2_10-.Ltmp4, $4  }
0x183: {  	[tilespmem:s24+$0xFFFFFFE0] =	vst v5;
	v2 =	vld.idx.msk [tilespmem:v11+s17+$0x0], $0xffff  }
0x184: {  	[tilespmem:s24+$0xFFFFFFF0] =	vst v7;
	v3 =	vld.idx.msk [tilespmem:v12+s17+$0x0], $0xffff  }
0x185: {  	[tilespmem:s24+$0xFFFFFF80] =	vst v14;
	v4 =	vld.idx.msk [tilespmem:v13+s17+$0x0], $0xffff  }
0x186: {  	s26 =	sadd.s32 $0x100, s26;
	[tilespmem:s24+$0x0] =	vst v8;
	v5 =	vld.idx.msk [tilespmem:v6+s17+$0x0], $0xffff  }
0x187: {  	[tilespmem:s24+$0x10] =	vst v0  }
0x188: {  	[tilespmem:s24+$0x20] =	vst v1  }
0x189: {  	[tilespmem:s24+$0x30] =	vst v2  }
0x18a: {  	[tilespmem:s24+$0x40] =	vst v3  }
0x18b: {  	[tilespmem:s24+$0x50] =	vst v4  }
0x18c: {  	[tilespmem:s24+$0x60] =	vst v5  }
0x18d: {  	[hbm4b:s10+s18] =	stream.strided.scatter [tilespmem:s19], [sflag:$0x1], $0x1000, s16, s18, $0x38;
	[tilespmem:$0x1E700] =	vst v63  }
0x18e: {  	_ =	swait.ge [sflag:s22], $0x1000  }
0x18f: {  	[sflag:s22] =	ssyncset.done $0x0  }
0x190: {  	s31 =	simm.s32 $0x10F0;
	[sflag:s22] =	ssyncadd.s32 $0xFFFFF000  }
0x191: {  	v0 =	vld [tilespmem:s31+$0x0]  }
0x192: {  	v1 =	vld [tilespmem:s31+$0xFFFFFF20]  }
0x193: {  	v2 =	vld [tilespmem:s31+$0xFFFFFF30]  }
0x194: {  	v3 =	vld [tilespmem:s31+$0xFFFFFF40]  }
0x195: {  	v4 =	vld [tilespmem:s31+$0xFFFFFF50]  }
0x196: {  	v5 =	vld [tilespmem:s31+$0xFFFFFF60]  }
0x197: {  	v6 =	vld [tilespmem:s31+$0xFFFFFF70]  }
0x198: {  	v7 =	vld [tilespmem:s31+$0xFFFFFF80]  }
0x199: {  	v8 =	vld [tilespmem:s31+$0xFFFFFF90]  }
0x19a: {  	v9 =	vld [tilespmem:s31+$0xFFFFFFA0]  }
0x19b: {  	v10 =	vld [tilespmem:s31+$0xFFFFFFB0]  }
0x19c: {  	v11 =	vld [tilespmem:s31+$0xFFFFFFC0]  }
0x19d: {  	v12 =	vld [tilespmem:s31+$0xFFFFFFD0]  }
0x19e: {  	v13 =	vld [tilespmem:s31+$0xFFFFFFE0]  }
0x19f: {  	v14 =	vld [tilespmem:s31+$0xFFFFFFF0]  }
0x1a0: {  	v15 =	vld [tilespmem:s31+$0xFFFFFF10]  }
0x1a1: {  	v0 =	vld.idx.msk [tilespmem:v0+s17+$0x0], $0xffff  }
0x1a2: {  	v1 =	vld.idx.msk [tilespmem:v1+s17+$0x0], $0xffff  }
0x1a3: {  	v2 =	vld.idx.msk [tilespmem:v2+s17+$0x0], $0xffff  }
0x1a4: {  	v3 =	vld.idx.msk [tilespmem:v3+s17+$0x0], $0xffff  }
0x1a5: {  	v4 =	vld.idx.msk [tilespmem:v4+s17+$0x0], $0xffff  }
0x1a6: {  	s24 =	simm.s32 $0x1D780;
	v5 =	vld.idx.msk [tilespmem:v5+s17+$0x0], $0xffff  }
0x1a7: {  	v6 =	vld.idx.msk [tilespmem:v6+s17+$0x0], $0xffff;
	[tilespmem:s24+$0x70] =	vst v0  }
0x1a8: {  	v7 =	vld.idx.msk [tilespmem:v7+s17+$0x0], $0xffff;
	[tilespmem:s24+$0xFFFFFF90] =	vst v1  }
0x1a9: {  	v15 =	vld.idx.msk [tilespmem:v15+s17+$0x0], $0xffff;
	[tilespmem:s24+$0xFFFFFFA0] =	vst v2  }
0x1aa: {  	v8 =	vld.idx.msk [tilespmem:v8+s17+$0x0], $0xffff;
	[tilespmem:s24+$0xFFFFFFB0] =	vst v3  }
0x1ab: {  	[tilespmem:s24+$0xFFFFFFC0] =	vst v4;
	v0 =	vld.idx.msk [tilespmem:v9+s17+$0x0], $0xffff  }
0x1ac: {  	[tilespmem:s24+$0xFFFFFFD0] =	vst v5;
	v1 =	vld.idx.msk [tilespmem:v10+s17+$0x0], $0xffff  }
0x1ad: {  	[tilespmem:s24+$0xFFFFFFE0] =	vst v6;
	v2 =	vld.idx.msk [tilespmem:v11+s17+$0x0], $0xffff  }
0x1ae: {  	[tilespmem:s24+$0xFFFFFFF0] =	vst v7;
	v3 =	vld.idx.msk [tilespmem:v12+s17+$0x0], $0xffff  }
0x1af: {  	[tilespmem:s24+$0xFFFFFF80] =	vst v15;
	v4 =	vld.idx.msk [tilespmem:v13+s17+$0x0], $0xffff  }
0x1b0: {  	s25 =	simm.s32 $0x1000;
	s26 =	simm.s32 $0x11F0;
	[tilespmem:s24+$0x0] =	vst v8;
	v5 =	vld.idx.msk [tilespmem:v14+s17+$0x0], $0xffff  }
.LBB2_12:
0x1b1: {  	v6 =	vld [tilespmem:s26+$0x0];
	s25 =	sadd.s32 $0x100, s25;
	[tilespmem:s24+$0x10] =	vst v0  }
0x1b2: {  	v0 =	vld [tilespmem:s26+$0xFFFFFF20];
	p0 =	slt.u32 s25, $0x1F00;
	[tilespmem:s24+$0x20] =	vst v1  }
0x1b3: {  	v1 =	vld [tilespmem:s26+$0xFFFFFF30];
	[tilespmem:s24+$0x30] =	vst v2  }
0x1b4: {  	v2 =	vld [tilespmem:s26+$0xFFFFFF40];
	[tilespmem:s24+$0x40] =	vst v3  }
0x1b5: {  	v3 =	vld [tilespmem:s26+$0xFFFFFF50];
	[tilespmem:s24+$0x50] =	vst v4  }
0x1b6: {  	v4 =	vld [tilespmem:s26+$0xFFFFFF60];
	[tilespmem:s24+$0x60] =	vst v5  }
0x1b7: {  	v5 =	vld [tilespmem:s26+$0xFFFFFF70]  }
0x1b8: {  	v7 =	vld [tilespmem:s26+$0xFFFFFF80]  }
0x1b9: {  	v6 =	vld.idx.msk [tilespmem:v6+s17+$0x0], $0xffff  }
0x1ba: {  	v8 =	vld [tilespmem:s26+$0xFFFFFF90]  }
0x1bb: {  	v9 =	vld [tilespmem:s26+$0xFFFFFFA0]  }
0x1bc: {  	v10 =	vld [tilespmem:s26+$0xFFFFFFB0]  }
0x1bd: {  	v11 =	vld [tilespmem:s26+$0xFFFFFFC0]  }
0x1be: {  	s24 =	sadd.s32 $0x100, s24;
	v12 =	vld [tilespmem:s26+$0xFFFFFFD0]  }
0x1bf: {  	v13 =	vld [tilespmem:s26+$0xFFFFFFE0];
	[tilespmem:s24+$0x70] =	vst v6  }
0x1c0: {  	v6 =	vld [tilespmem:s26+$0xFFFFFFF0]  }
0x1c1: {  	v14 =	vld [tilespmem:s26+$0xFFFFFF10]  }
0x1c2: {  	v0 =	vld.idx.msk [tilespmem:v0+s17+$0x0], $0xffff  }
0x1c3: {  	v1 =	vld.idx.msk [tilespmem:v1+s17+$0x0], $0xffff  }
0x1c4: {  	v2 =	vld.idx.msk [tilespmem:v2+s17+$0x0], $0xffff  }
0x1c5: {  	v3 =	vld.idx.msk [tilespmem:v3+s17+$0x0], $0xffff  }
0x1c6: {  	v4 =	vld.idx.msk [tilespmem:v4+s17+$0x0], $0xffff  }
0x1c7: {  	v5 =	vld.idx.msk [tilespmem:v5+s17+$0x0], $0xffff  }
0x1c8: {  	[tilespmem:s24+$0xFFFFFF90] =	vst v0;
	v7 =	vld.idx.msk [tilespmem:v7+s17+$0x0], $0xffff  }
0x1c9: {  	v14 =	vld.idx.msk [tilespmem:v14+s17+$0x0], $0xffff;
	[tilespmem:s24+$0xFFFFFFA0] =	vst v1  }
0x1ca: {  	[tilespmem:s24+$0xFFFFFFB0] =	vst v2;
	v8 =	vld.idx.msk [tilespmem:v8+s17+$0x0], $0xffff  }
0x1cb: {  	[tilespmem:s24+$0xFFFFFFC0] =	vst v3;
	v0 =	vld.idx.msk [tilespmem:v9+s17+$0x0], $0xffff  }
.Ltmp5:
0x1cc: {  	[tilespmem:s24+$0xFFFFFFD0] =	vst v4;
	v1 =	vld.idx.msk [tilespmem:v10+s17+$0x0], $0xffff;
	(pc) =	sbr.rel @p0 .LBB2_12-.Ltmp5, $4  }
0x1cd: {  	[tilespmem:s24+$0xFFFFFFE0] =	vst v5;
	v2 =	vld.idx.msk [tilespmem:v11+s17+$0x0], $0xffff  }
0x1ce: {  	[tilespmem:s24+$0xFFFFFFF0] =	vst v7;
	v3 =	vld.idx.msk [tilespmem:v12+s17+$0x0], $0xffff  }
0x1cf: {  	[tilespmem:s24+$0xFFFFFF80] =	vst v14;
	v4 =	vld.idx.msk [tilespmem:v13+s17+$0x0], $0xffff  }
0x1d0: {  	s26 =	sadd.s32 $0x100, s26;
	[tilespmem:s24+$0x0] =	vst v8;
	v5 =	vld.idx.msk [tilespmem:v6+s17+$0x0], $0xffff  }
0x1d1: {  	[tilespmem:s24+$0x10] =	vst v0  }
0x1d2: {  	[tilespmem:s24+$0x20] =	vst v1  }
0x1d3: {  	[tilespmem:s24+$0x30] =	vst v2  }
0x1d4: {  	[tilespmem:s24+$0x40] =	vst v3  }
0x1d5: {  	[tilespmem:s24+$0x50] =	vst v4  }
0x1d6: {  	[tilespmem:s24+$0x60] =	vst v5  }
0x1d7: {  	[hbm4b:s11+s18] =	stream.strided.scatter [tilespmem:s20], [sflag:$0x2], $0x1000, s16, s18, $0x38;
	[tilespmem:$0x1E700] =	vst v63  }
0x1d8: {  	_ =	swait.ge [sflag:s21], $0x1000  }
0x1d9: {  	[sflag:s21] =	ssyncset.done $0x0  }
0x1da: {  	s31 =	simm.s32 $0x20F0;
	[sflag:s21] =	ssyncadd.s32 $0xFFFFF000  }
0x1db: {  	v0 =	vld [tilespmem:s31+$0x0]  }
0x1dc: {  	v1 =	vld [tilespmem:s31+$0xFFFFFF20]  }
0x1dd: {  	v2 =	vld [tilespmem:s31+$0xFFFFFF30]  }
0x1de: {  	v3 =	vld [tilespmem:s31+$0xFFFFFF40]  }
0x1df: {  	v4 =	vld [tilespmem:s31+$0xFFFFFF50]  }
0x1e0: {  	v5 =	vld [tilespmem:s31+$0xFFFFFF60]  }
0x1e1: {  	v6 =	vld [tilespmem:s31+$0xFFFFFF70]  }
0x1e2: {  	v7 =	vld [tilespmem:s31+$0xFFFFFF80]  }
0x1e3: {  	v8 =	vld [tilespmem:s31+$0xFFFFFF90]  }
0x1e4: {  	v9 =	vld [tilespmem:s31+$0xFFFFFFA0]  }
0x1e5: {  	v10 =	vld [tilespmem:s31+$0xFFFFFFB0]  }
0x1e6: {  	v11 =	vld [tilespmem:s31+$0xFFFFFFC0]  }
0x1e7: {  	v12 =	vld [tilespmem:s31+$0xFFFFFFD0]  }
0x1e8: {  	v13 =	vld [tilespmem:s31+$0xFFFFFFE0]  }
0x1e9: {  	v14 =	vld [tilespmem:s31+$0xFFFFFFF0]  }
0x1ea: {  	v15 =	vld [tilespmem:s31+$0xFFFFFF10]  }
0x1eb: {  	v0 =	vld.idx.msk [tilespmem:v0+s17+$0x0], $0xffff  }
0x1ec: {  	v1 =	vld.idx.msk [tilespmem:v1+s17+$0x0], $0xffff  }
0x1ed: {  	v2 =	vld.idx.msk [tilespmem:v2+s17+$0x0], $0xffff  }
0x1ee: {  	v3 =	vld.idx.msk [tilespmem:v3+s17+$0x0], $0xffff  }
0x1ef: {  	v4 =	vld.idx.msk [tilespmem:v4+s17+$0x0], $0xffff  }
0x1f0: {  	s24 =	simm.s32 $0x1C780;
	v5 =	vld.idx.msk [tilespmem:v5+s17+$0x0], $0xffff  }
0x1f1: {  	v6 =	vld.idx.msk [tilespmem:v6+s17+$0x0], $0xffff;
	[tilespmem:s24+$0x70] =	vst v0  }
0x1f2: {  	v7 =	vld.idx.msk [tilespmem:v7+s17+$0x0], $0xffff;
	[tilespmem:s24+$0xFFFFFF90] =	vst v1  }
0x1f3: {  	v15 =	vld.idx.msk [tilespmem:v15+s17+$0x0], $0xffff;
	[tilespmem:s24+$0xFFFFFFA0] =	vst v2  }
0x1f4: {  	v8 =	vld.idx.msk [tilespmem:v8+s17+$0x0], $0xffff;
	[tilespmem:s24+$0xFFFFFFB0] =	vst v3  }
0x1f5: {  	[tilespmem:s24+$0xFFFFFFC0] =	vst v4;
	v0 =	vld.idx.msk [tilespmem:v9+s17+$0x0], $0xffff  }
0x1f6: {  	[tilespmem:s24+$0xFFFFFFD0] =	vst v5;
	v1 =	vld.idx.msk [tilespmem:v10+s17+$0x0], $0xffff  }
0x1f7: {  	[tilespmem:s24+$0xFFFFFFE0] =	vst v6;
	v2 =	vld.idx.msk [tilespmem:v11+s17+$0x0], $0xffff  }
0x1f8: {  	[tilespmem:s24+$0xFFFFFFF0] =	vst v7;
	v3 =	vld.idx.msk [tilespmem:v12+s17+$0x0], $0xffff  }
0x1f9: {  	[tilespmem:s24+$0xFFFFFF80] =	vst v15;
	v4 =	vld.idx.msk [tilespmem:v13+s17+$0x0], $0xffff  }
0x1fa: {  	s25 =	simm.s32 $0x2000;
	s26 =	simm.s32 $0x21F0;
	[tilespmem:s24+$0x0] =	vst v8;
	v5 =	vld.idx.msk [tilespmem:v14+s17+$0x0], $0xffff  }
.LBB2_14:
0x1fb: {  	v6 =	vld [tilespmem:s26+$0x0];
	s25 =	sadd.s32 $0x100, s25;
	[tilespmem:s24+$0x10] =	vst v0  }
0x1fc: {  	v0 =	vld [tilespmem:s26+$0xFFFFFF20];
	p0 =	slt.u32 s25, $0x2F00;
	[tilespmem:s24+$0x20] =	vst v1  }
0x1fd: {  	v1 =	vld [tilespmem:s26+$0xFFFFFF30];
	[tilespmem:s24+$0x30] =	vst v2  }
0x1fe: {  	v2 =	vld [tilespmem:s26+$0xFFFFFF40];
	[tilespmem:s24+$0x40] =	vst v3  }
0x1ff: {  	v3 =	vld [tilespmem:s26+$0xFFFFFF50];
	[tilespmem:s24+$0x50] =	vst v4  }
0x200: {  	v4 =	vld [tilespmem:s26+$0xFFFFFF60];
	[tilespmem:s24+$0x60] =	vst v5  }
0x201: {  	v5 =	vld [tilespmem:s26+$0xFFFFFF70]  }
0x202: {  	v7 =	vld [tilespmem:s26+$0xFFFFFF80]  }
0x203: {  	v6 =	vld.idx.msk [tilespmem:v6+s17+$0x0], $0xffff  }
0x204: {  	v8 =	vld [tilespmem:s26+$0xFFFFFF90]  }
0x205: {  	v9 =	vld [tilespmem:s26+$0xFFFFFFA0]  }
0x206: {  	v10 =	vld [tilespmem:s26+$0xFFFFFFB0]  }
0x207: {  	v11 =	vld [tilespmem:s26+$0xFFFFFFC0]  }
0x208: {  	s24 =	sadd.s32 $0x100, s24;
	v12 =	vld [tilespmem:s26+$0xFFFFFFD0]  }
0x209: {  	v13 =	vld [tilespmem:s26+$0xFFFFFFE0];
	[tilespmem:s24+$0x70] =	vst v6  }
0x20a: {  	v6 =	vld [tilespmem:s26+$0xFFFFFFF0]  }
0x20b: {  	v14 =	vld [tilespmem:s26+$0xFFFFFF10]  }
0x20c: {  	v0 =	vld.idx.msk [tilespmem:v0+s17+$0x0], $0xffff  }
0x20d: {  	v1 =	vld.idx.msk [tilespmem:v1+s17+$0x0], $0xffff  }
0x20e: {  	v2 =	vld.idx.msk [tilespmem:v2+s17+$0x0], $0xffff  }
0x20f: {  	v3 =	vld.idx.msk [tilespmem:v3+s17+$0x0], $0xffff  }
0x210: {  	v4 =	vld.idx.msk [tilespmem:v4+s17+$0x0], $0xffff  }
0x211: {  	v5 =	vld.idx.msk [tilespmem:v5+s17+$0x0], $0xffff  }
0x212: {  	[tilespmem:s24+$0xFFFFFF90] =	vst v0;
	v7 =	vld.idx.msk [tilespmem:v7+s17+$0x0], $0xffff  }
0x213: {  	v14 =	vld.idx.msk [tilespmem:v14+s17+$0x0], $0xffff;
	[tilespmem:s24+$0xFFFFFFA0] =	vst v1  }
0x214: {  	[tilespmem:s24+$0xFFFFFFB0] =	vst v2;
	v8 =	vld.idx.msk [tilespmem:v8+s17+$0x0], $0xffff  }
0x215: {  	[tilespmem:s24+$0xFFFFFFC0] =	vst v3;
	v0 =	vld.idx.msk [tilespmem:v9+s17+$0x0], $0xffff  }
.Ltmp6:
0x216: {  	[tilespmem:s24+$0xFFFFFFD0] =	vst v4;
	v1 =	vld.idx.msk [tilespmem:v10+s17+$0x0], $0xffff;
	(pc) =	sbr.rel @p0 .LBB2_14-.Ltmp6, $4  }
0x217: {  	[tilespmem:s24+$0xFFFFFFE0] =	vst v5;
	v2 =	vld.idx.msk [tilespmem:v11+s17+$0x0], $0xffff  }
0x218: {  	[tilespmem:s24+$0xFFFFFFF0] =	vst v7;
	v3 =	vld.idx.msk [tilespmem:v12+s17+$0x0], $0xffff  }
0x219: {  	[tilespmem:s24+$0xFFFFFF80] =	vst v14;
	v4 =	vld.idx.msk [tilespmem:v13+s17+$0x0], $0xffff  }
0x21a: {  	s26 =	sadd.s32 $0x100, s26;
	[tilespmem:s24+$0x0] =	vst v8;
	v5 =	vld.idx.msk [tilespmem:v6+s17+$0x0], $0xffff  }
0x21b: {  	[tilespmem:s24+$0x10] =	vst v0  }
0x21c: {  	[tilespmem:s24+$0x20] =	vst v1  }
0x21d: {  	[tilespmem:s24+$0x30] =	vst v2  }
0x21e: {  	[tilespmem:s24+$0x40] =	vst v3  }
0x21f: {  	[tilespmem:s24+$0x50] =	vst v4  }
0x220: {  	[tilespmem:s24+$0x60] =	vst v5  }
0x221: {  	[hbm4b:s12+s18] =	stream.strided.scatter [tilespmem:s19], [sflag:$0x1], $0x1000, s16, s18, $0x38;
	[tilespmem:$0x1E700] =	vst v63  }
0x222: {  	_ =	swait.ge [sflag:s22], $0x1000  }
0x223: {  	[sflag:s22] =	ssyncset.done $0x0  }
0x224: {  	s31 =	simm.s32 $0x30F0;
	[sflag:s22] =	ssyncadd.s32 $0xFFFFF000  }
0x225: {  	v0 =	vld [tilespmem:s31+$0x0]  }
0x226: {  	v1 =	vld [tilespmem:s31+$0xFFFFFF20]  }
0x227: {  	v2 =	vld [tilespmem:s31+$0xFFFFFF30]  }
0x228: {  	v3 =	vld [tilespmem:s31+$0xFFFFFF40]  }
0x229: {  	v4 =	vld [tilespmem:s31+$0xFFFFFF50]  }
0x22a: {  	v5 =	vld [tilespmem:s31+$0xFFFFFF60]  }
0x22b: {  	v6 =	vld [tilespmem:s31+$0xFFFFFF70]  }
0x22c: {  	v7 =	vld [tilespmem:s31+$0xFFFFFF80]  }
0x22d: {  	v8 =	vld [tilespmem:s31+$0xFFFFFF90]  }
0x22e: {  	v9 =	vld [tilespmem:s31+$0xFFFFFFA0]  }
0x22f: {  	v10 =	vld [tilespmem:s31+$0xFFFFFFB0]  }
0x230: {  	v11 =	vld [tilespmem:s31+$0xFFFFFFC0]  }
0x231: {  	v12 =	vld [tilespmem:s31+$0xFFFFFFD0]  }
0x232: {  	v13 =	vld [tilespmem:s31+$0xFFFFFFE0]  }
0x233: {  	v14 =	vld [tilespmem:s31+$0xFFFFFFF0]  }
0x234: {  	v15 =	vld [tilespmem:s31+$0xFFFFFF10]  }
0x235: {  	v0 =	vld.idx.msk [tilespmem:v0+s17+$0x0], $0xffff  }
0x236: {  	v1 =	vld.idx.msk [tilespmem:v1+s17+$0x0], $0xffff  }
0x237: {  	v2 =	vld.idx.msk [tilespmem:v2+s17+$0x0], $0xffff  }
0x238: {  	v3 =	vld.idx.msk [tilespmem:v3+s17+$0x0], $0xffff  }
0x239: {  	v4 =	vld.idx.msk [tilespmem:v4+s17+$0x0], $0xffff  }
0x23a: {  	s24 =	simm.s32 $0x1D780;
	v5 =	vld.idx.msk [tilespmem:v5+s17+$0x0], $0xffff  }
0x23b: {  	v6 =	vld.idx.msk [tilespmem:v6+s17+$0x0], $0xffff;
	[tilespmem:s24+$0x70] =	vst v0  }
0x23c: {  	v7 =	vld.idx.msk [tilespmem:v7+s17+$0x0], $0xffff;
	[tilespmem:s24+$0xFFFFFF90] =	vst v1  }
0x23d: {  	v15 =	vld.idx.msk [tilespmem:v15+s17+$0x0], $0xffff;
	[tilespmem:s24+$0xFFFFFFA0] =	vst v2  }
0x23e: {  	v8 =	vld.idx.msk [tilespmem:v8+s17+$0x0], $0xffff;
	[tilespmem:s24+$0xFFFFFFB0] =	vst v3  }
0x23f: {  	[tilespmem:s24+$0xFFFFFFC0] =	vst v4;
	v0 =	vld.idx.msk [tilespmem:v9+s17+$0x0], $0xffff  }
0x240: {  	[tilespmem:s24+$0xFFFFFFD0] =	vst v5;
	v1 =	vld.idx.msk [tilespmem:v10+s17+$0x0], $0xffff  }
0x241: {  	[tilespmem:s24+$0xFFFFFFE0] =	vst v6;
	v2 =	vld.idx.msk [tilespmem:v11+s17+$0x0], $0xffff  }
0x242: {  	[tilespmem:s24+$0xFFFFFFF0] =	vst v7;
	v3 =	vld.idx.msk [tilespmem:v12+s17+$0x0], $0xffff  }
0x243: {  	[tilespmem:s24+$0xFFFFFF80] =	vst v15;
	v4 =	vld.idx.msk [tilespmem:v13+s17+$0x0], $0xffff  }
0x244: {  	s25 =	simm.s32 $0x3000;
	s26 =	simm.s32 $0x31F0;
	[tilespmem:s24+$0x0] =	vst v8;
	v5 =	vld.idx.msk [tilespmem:v14+s17+$0x0], $0xffff  }
.LBB2_16:
0x245: {  	v6 =	vld [tilespmem:s26+$0x0];
	s25 =	sadd.s32 $0x100, s25;
	[tilespmem:s24+$0x10] =	vst v0  }
0x246: {  	v0 =	vld [tilespmem:s26+$0xFFFFFF20];
	p0 =	slt.u32 s25, $0x3F00;
	[tilespmem:s24+$0x20] =	vst v1  }
0x247: {  	v1 =	vld [tilespmem:s26+$0xFFFFFF30];
	[tilespmem:s24+$0x30] =	vst v2  }
0x248: {  	v2 =	vld [tilespmem:s26+$0xFFFFFF40];
	[tilespmem:s24+$0x40] =	vst v3  }
0x249: {  	v3 =	vld [tilespmem:s26+$0xFFFFFF50];
	[tilespmem:s24+$0x50] =	vst v4  }
0x24a: {  	v4 =	vld [tilespmem:s26+$0xFFFFFF60];
	[tilespmem:s24+$0x60] =	vst v5  }
0x24b: {  	v5 =	vld [tilespmem:s26+$0xFFFFFF70]  }
0x24c: {  	v7 =	vld [tilespmem:s26+$0xFFFFFF80]  }
0x24d: {  	v6 =	vld.idx.msk [tilespmem:v6+s17+$0x0], $0xffff  }
0x24e: {  	v8 =	vld [tilespmem:s26+$0xFFFFFF90]  }
0x24f: {  	v9 =	vld [tilespmem:s26+$0xFFFFFFA0]  }
0x250: {  	v10 =	vld [tilespmem:s26+$0xFFFFFFB0]  }
0x251: {  	v11 =	vld [tilespmem:s26+$0xFFFFFFC0]  }
0x252: {  	s24 =	sadd.s32 $0x100, s24;
	v12 =	vld [tilespmem:s26+$0xFFFFFFD0]  }
0x253: {  	v13 =	vld [tilespmem:s26+$0xFFFFFFE0];
	[tilespmem:s24+$0x70] =	vst v6  }
0x254: {  	v6 =	vld [tilespmem:s26+$0xFFFFFFF0]  }
0x255: {  	v14 =	vld [tilespmem:s26+$0xFFFFFF10]  }
0x256: {  	v0 =	vld.idx.msk [tilespmem:v0+s17+$0x0], $0xffff  }
0x257: {  	v1 =	vld.idx.msk [tilespmem:v1+s17+$0x0], $0xffff  }
0x258: {  	v2 =	vld.idx.msk [tilespmem:v2+s17+$0x0], $0xffff  }
0x259: {  	v3 =	vld.idx.msk [tilespmem:v3+s17+$0x0], $0xffff  }
0x25a: {  	v4 =	vld.idx.msk [tilespmem:v4+s17+$0x0], $0xffff  }
0x25b: {  	v5 =	vld.idx.msk [tilespmem:v5+s17+$0x0], $0xffff  }
0x25c: {  	[tilespmem:s24+$0xFFFFFF90] =	vst v0;
	v7 =	vld.idx.msk [tilespmem:v7+s17+$0x0], $0xffff  }
0x25d: {  	v14 =	vld.idx.msk [tilespmem:v14+s17+$0x0], $0xffff;
	[tilespmem:s24+$0xFFFFFFA0] =	vst v1  }
0x25e: {  	[tilespmem:s24+$0xFFFFFFB0] =	vst v2;
	v8 =	vld.idx.msk [tilespmem:v8+s17+$0x0], $0xffff  }
0x25f: {  	[tilespmem:s24+$0xFFFFFFC0] =	vst v3;
	v0 =	vld.idx.msk [tilespmem:v9+s17+$0x0], $0xffff  }
.Ltmp7:
0x260: {  	[tilespmem:s24+$0xFFFFFFD0] =	vst v4;
	v1 =	vld.idx.msk [tilespmem:v10+s17+$0x0], $0xffff;
	(pc) =	sbr.rel @p0 .LBB2_16-.Ltmp7, $4  }
0x261: {  	[tilespmem:s24+$0xFFFFFFE0] =	vst v5;
	v2 =	vld.idx.msk [tilespmem:v11+s17+$0x0], $0xffff  }
0x262: {  	[tilespmem:s24+$0xFFFFFFF0] =	vst v7;
	v3 =	vld.idx.msk [tilespmem:v12+s17+$0x0], $0xffff  }
0x263: {  	[tilespmem:s24+$0xFFFFFF80] =	vst v14;
	v4 =	vld.idx.msk [tilespmem:v13+s17+$0x0], $0xffff  }
0x264: {  	s26 =	sadd.s32 $0x100, s26;
	[tilespmem:s24+$0x0] =	vst v8;
	v5 =	vld.idx.msk [tilespmem:v6+s17+$0x0], $0xffff  }
0x265: {  	[tilespmem:s24+$0x10] =	vst v0  }
0x266: {  	[tilespmem:s24+$0x20] =	vst v1  }
0x267: {  	[tilespmem:s24+$0x30] =	vst v2  }
0x268: {  	[tilespmem:s24+$0x40] =	vst v3  }
0x269: {  	[tilespmem:s24+$0x50] =	vst v4  }
0x26a: {  	s23 =	sadd.s32 $0x1, s23;
	[tilespmem:s24+$0x60] =	vst v5  }
0x26b: {  	[hbm4b:s13+s18] =	stream.strided.scatter [tilespmem:s20], [sflag:$0x2], $0x1000, s16, s18, $0x38;
	[tilespmem:$0x1E700] =	vst v63  }
0x26c: {  	p0 =	sne.s32 s23, s14;
	_ =	swait.ge [sflag:s21], $0x1000  }
.Ltmp8:
0x26d: {  	[sflag:s21] =	ssyncset.done $0x0;
	(pc) =	sbr.rel @p0 .LBB2_1-.Ltmp8, $4  }
0x26e: {  	[sflag:s21] =	ssyncadd.s32 $0xFFFFF000  }
0x26f: {  	_ =	swait.ge [sflag:s22], $0x1000  }
0x270: {  	[sflag:s22] =	ssyncset.done $0x0  }
0x271: {  	[sflag:s22] =	ssyncadd.s32 $0xFFFFF000  }
0x272: {  	_ =	sfence.sel $0x180000  }
0x273: {  	[bflag:$0x0] =	sbarrier.arrive $0xFFFF  }
0x274: {  	p0 =	sne.s32 s2, $0x0;
	_ =	strace $0x90000047  }
0x275: {  	s0 =	sadd.s32 @!p0 $0x100000, s0;
	[bflag:$0x2] =	sbarrier.arrive $0xFFFF  }
0x276: {  	[sflag:s0] =	ssyncadd.tile.s32 @!p0 $0x1;
	_ =	shalt  }
.Lfunc_end2:
_tile_overlayer_lowered:
.L_overlay_start_2:
0x277: {  	(tag) =	ssettag $0x2  }
0x278: {  	s0 =	rddreg [dreg:$0x0];
	s2 =	stileid.u32  }
0x279: {  	s1 =	rddreg [dreg:$0x1];
	p0 =	sne.s32 s2, $0x0  }
0x27a: {  	s3 =	rddreg [dreg:$0x2];
	[bflag:$0x3] =	sbarrier.arrive $0xFFFF;
	s2 =	simm.s32 @!p0 $0x1C03  }
0x27b: {  	[timem:s3], [sflag:s2] =	dma.local @!p0 [hbm:s0], s1  }
0x27c: {  	s0 =	simm.s32 @!p0 $0x3  }
0x27d: {  	_ =	swait.ge @!p0 [sflag:s0], s1  }
0x27e: {  	s1 =	ssub.s32 @!p0 $0x0, s1;
	[sflag:s0] =	ssyncset.done @!p0 $0x0  }
0x27f: {  	[sflag:s0] =	ssyncadd.s32 @!p0 s1  }
0x280: {  	[bflag:$0x3] =	sbarrier.arrive $0xFFFF  }
0x281: {  	_ =	shalt  }

</sc_bundles>
